<compile_context>
chip_gen: v7x
topology: tpu7x:2x2x1
jax: 0.10.2.dev20260603
libtpu: 0.0.44.dev20260713+nightly
codegen_flags: <defaults>
</compile_context>

<pallas_src>
import functools
import jax
import jax.numpy as jnp
from jax import lax
from jax.experimental import pallas as pl
from jax.experimental.pallas import tpu as pltpu
from jax.experimental.pallas import tpu_sc as plsc

N = 10000
NP = 10240
E = 320000
EP = 327680
D = 128
H = 64
G = 32
NC, NS = 2, 16
NW = NC * NS
EW = EP // NW
CH = 128
NCHUNK = EW // CH
TROWS = NP // NS

@functools.cache
def _sc_mesh():
    return plsc.VectorSubcoreMesh(core_axis_name="c", subcore_axis_name="s",
                                  num_cores=NC, num_subcores=NS)



@functools.cache
def _deg_sc_call():
    return pl.kernel(
        _deg_sc,
        out_type=jax.ShapeDtypeStruct((NC, NP), jnp.float32),
        mesh=_sc_mesh(),
        scratch_types=[
            pltpu.VMEM_SHARED((NP,), jnp.float32),
            pltpu.VMEM((CH,), jnp.int32),
            pltpu.VMEM((CH,), jnp.float32),
        ],
    )


def _deg_sc(dst_hbm, zeros1_hbm, ones_hbm, out_hbm, deg_sh, dstv, onesv):
    c = lax.axis_index("c")
    s = lax.axis_index("s")
    wid = c * NS + s

    pltpu.sync_copy(ones_hbm, onesv)
    pltpu.sync_copy(zeros1_hbm, deg_sh.at[pl.ds(s * TROWS, TROWS)])
    plsc.subcore_barrier()

    def body(j, _):
        base = wid * EW + j * CH
        pltpu.sync_copy(dst_hbm.at[pl.ds(base, CH)], dstv)
        pltpu.sync_copy(onesv, deg_sh.at[dstv], add=True)
        return 0

    lax.fori_loop(0, NCHUNK, body, 0)
    plsc.subcore_barrier()
    pltpu.sync_copy(deg_sh.at[pl.ds(s * TROWS, TROWS)],
                    out_hbm.at[c, pl.ds(s * TROWS, TROWS)])



@functools.cache
def _agg_sc_call():
    return pl.kernel(
        _agg_sc,
        out_type=jax.ShapeDtypeStruct((NC, NP, H), jnp.float32),
        mesh=_sc_mesh(),
        scratch_types=[
            pltpu.VMEM_SHARED((NP, H), jnp.float32),
            pltpu.VMEM((CH,), jnp.int32),
            pltpu.VMEM((CH,), jnp.int32),
            pltpu.VMEM((CH, H), jnp.float32),
            pltpu.SemaphoreType.DMA,
        ],
        compiler_params=pltpu.CompilerParams(use_tc_tiling_on_sc=False),
    )


def _agg_sc(hs_hbm, src_hbm, dst_hbm, zeros2_hbm, out_hbm, acc_sh, srcv,
            dstv, gbuf, sem):
    c = lax.axis_index("c")
    s = lax.axis_index("s")
    wid = c * NS + s

    pltpu.sync_copy(zeros2_hbm, acc_sh.at[pl.ds(s * TROWS, TROWS)])
    plsc.subcore_barrier()

    def body(j, _):
        base = wid * EW + j * CH
        pltpu.sync_copy(src_hbm.at[pl.ds(base, CH)], srcv)
        pltpu.sync_copy(dst_hbm.at[pl.ds(base, CH)], dstv)
        pltpu.async_copy(hs_hbm.at[srcv], gbuf, sem).wait()
        pltpu.sync_copy(gbuf, acc_sh.at[dstv], add=True)
        return 0

    lax.fori_loop(0, NCHUNK, body, 0)
    plsc.subcore_barrier()
    pltpu.sync_copy(acc_sh.at[pl.ds(s * TROWS, TROWS)],
                    out_hbm.at[c, pl.ds(s * TROWS, TROWS)])



_RB = 1024


def _l1_tc(x_ref, w_ref, deg_ref, hs_ref, dinv_ref):
    deg = deg_ref[0, :] + deg_ref[1, :] + 1.0
    dinv = lax.rsqrt(deg)[:, None]
    h = jnp.dot(x_ref[...], w_ref[...], preferred_element_type=jnp.float32)
    hs_ref[...] = h * dinv
    dinv_ref[...] = dinv


def _l2_tc(acc_ref, hs1_ref, dinv_ref, b1_ref, w2_ref, hs2_ref):
    dinv = dinv_ref[...]
    a = acc_ref[0] + acc_ref[1] + hs1_ref[...]
    h = jnp.maximum(a * dinv + b1_ref[...], 0.0)
    h2 = jnp.dot(h, w2_ref[...], preferred_element_type=jnp.float32) * dinv
    rows = lax.broadcasted_iota(jnp.int32, (_RB, H), 0) + pl.program_id(0) * _RB
    hs2_ref[...] = jnp.where(rows < N, h2, 0.0)


def _head_tc(acc_ref, hs2_ref, dinv_ref, b2_ref, batch_ref,
             wmf_ref, bmf_ref, wbp_ref, bbp_ref, wcc_ref, bcc_ref,
             omf_ref, obp_ref, occ_ref):
    a = acc_ref[0] + acc_ref[1] + hs2_ref[...]
    h2 = jnp.maximum(a * dinv_ref[...] + b2_ref[...], 0.0)
    seg = lax.broadcasted_iota(jnp.int32, (G, NP), 0)
    m = (batch_ref[...] == seg).astype(jnp.float32)
    counts = jnp.sum(m, axis=1, keepdims=True)
    pooled = jnp.dot(m, h2, preferred_element_type=jnp.float32)
    pooled = pooled / jnp.maximum(counts, 1.0)
    omf_ref[...] = jnp.dot(pooled, wmf_ref[...],
                           preferred_element_type=jnp.float32) + bmf_ref[...]
    obp_ref[...] = jnp.dot(pooled, wbp_ref[...],
                           preferred_element_type=jnp.float32) + bbp_ref[...]
    occ_ref[...] = jnp.dot(pooled, wcc_ref[...],
                           preferred_element_type=jnp.float32) + bcc_ref[...]


def _layer1(x_p, W1, deg_p):
    grid = NP // _RB
    return pl.pallas_call(
        _l1_tc,
        grid=(grid,),
        in_specs=[
            pl.BlockSpec((_RB, D), lambda i: (i, 0)),
            pl.BlockSpec((D, H), lambda i: (0, 0)),
            pl.BlockSpec((NC, _RB), lambda i: (0, i)),
        ],
        out_specs=[
            pl.BlockSpec((_RB, H), lambda i: (i, 0)),
            pl.BlockSpec((_RB, 1), lambda i: (i, 0)),
        ],
        out_shape=[
            jax.ShapeDtypeStruct((NP, H), jnp.float32),
            jax.ShapeDtypeStruct((NP, 1), jnp.float32),
        ],
    )(x_p, W1, deg_p)


def _layer2(acc1, hs1, dinv, b1, W2):
    grid = NP // _RB
    return pl.pallas_call(
        _l2_tc,
        grid=(grid,),
        in_specs=[
            pl.BlockSpec((NC, _RB, H), lambda i: (0, i, 0)),
            pl.BlockSpec((_RB, H), lambda i: (i, 0)),
            pl.BlockSpec((_RB, 1), lambda i: (i, 0)),
            pl.BlockSpec((1, H), lambda i: (0, 0)),
            pl.BlockSpec((H, H), lambda i: (0, 0)),
        ],
        out_specs=pl.BlockSpec((_RB, H), lambda i: (i, 0)),
        out_shape=jax.ShapeDtypeStruct((NP, H), jnp.float32),
    )(acc1, hs1, dinv, b1, W2)


def _heads(acc2, hs2, dinv, b2, batch_p, W_mf, b_mf, W_bp, b_bp, W_cc, b_cc):
    full = lambda s: pl.BlockSpec(s, lambda: tuple(0 for _ in s))
    return pl.pallas_call(
        _head_tc,
        in_specs=[
            full((NC, NP, H)), full((NP, H)), full((NP, 1)), full((1, H)),
            full((1, NP)),
            full((H, W_mf.shape[1])), full((1, W_mf.shape[1])),
            full((H, W_bp.shape[1])), full((1, W_bp.shape[1])),
            full((H, W_cc.shape[1])), full((1, W_cc.shape[1])),
        ],
        out_specs=[
            full((G, W_mf.shape[1])),
            full((G, W_bp.shape[1])),
            full((G, W_cc.shape[1])),
        ],
        out_shape=[
            jax.ShapeDtypeStruct((G, W_mf.shape[1]), jnp.float32),
            jax.ShapeDtypeStruct((G, W_bp.shape[1]), jnp.float32),
            jax.ShapeDtypeStruct((G, W_cc.shape[1]), jnp.float32),
        ],
    )(acc2, hs2, dinv, b2, batch_p, W_mf, b_mf, W_bp, b_bp, W_cc, b_cc)


@jax.jit
def kernel(x, edge_index, batch, W1, b1, W2, b2, W_mf, b_mf, W_bp, b_bp,
           W_cc, b_cc):
    pad_idx = jnp.full((EP - E,), NP - 1, jnp.int32)
    src_p = jnp.concatenate([edge_index[0], pad_idx])
    dst_p = jnp.concatenate([edge_index[1], pad_idx])
    x_p = jnp.zeros((NP, D), jnp.float32).at[:N].set(x)
    batch_p = jnp.concatenate([batch, jnp.full((NP - N,), G, jnp.int32)])
    batch_p = batch_p[None, :]

    zeros1 = jnp.zeros((TROWS,), jnp.float32)
    zeros2 = jnp.zeros((TROWS, H), jnp.float32)
    ones_c = jnp.ones((CH,), jnp.float32)

    deg_p = _deg_sc_call()(dst_p, zeros1, ones_c)
    hs1, dinv = _layer1(x_p, W1, deg_p)
    acc1 = _agg_sc_call()(hs1, src_p, dst_p, zeros2)
    hs2 = _layer2(acc1, hs1, dinv, b1[None, :], W2)
    acc2 = _agg_sc_call()(hs2, src_p, dst_p, zeros2)
    return _heads(acc2, hs2, dinv, b2[None, :], batch_p,
                  W_mf, b_mf[None, :], W_bp, b_bp[None, :],
                  W_cc, b_cc[None, :])

# --- scband reference (transcript-rebuilt; emitter-appended) ---
"""Pipeline reference for scband-gcnmulti-label-classifier-7490422964950 (READ-ONLY COPY).

The authoritative reference and input builder live on the scoring server;
editing this copy changes nothing except your own understanding.
"""

import jax, jax.numpy as jnp
import numpy as np

N = 10000
E = 320000
D = 128
H = 64
G = 32
OUT_MF, OUT_BP, OUT_CC = 489, 1943, 320


def setup_inputs(seed: int = 0) -> dict:
    key = jax.random.key(seed)
    ks = jax.random.split(key, 14)
    x = jax.random.normal(ks[0], (N, D), dtype=jnp.float32)
    edge_index = jax.random.randint(ks[1], (2, E), 0, N, dtype=jnp.int32)
    batch = jnp.sort(jax.random.randint(ks[2], (N,), 0, G, dtype=jnp.int32))
    W1 = jax.random.normal(ks[3], (D, H), dtype=jnp.float32) / np.sqrt(D)
    b1 = jnp.zeros((H,), dtype=jnp.float32)
    W2 = jax.random.normal(ks[4], (H, H), dtype=jnp.float32) / np.sqrt(H)
    b2 = jnp.zeros((H,), dtype=jnp.float32)
    W_mf = jax.random.normal(ks[5], (H, OUT_MF), dtype=jnp.float32) / np.sqrt(H)
    b_mf = jnp.zeros((OUT_MF,), dtype=jnp.float32)
    W_bp = jax.random.normal(ks[6], (H, OUT_BP), dtype=jnp.float32) / np.sqrt(H)
    b_bp = jnp.zeros((OUT_BP,), dtype=jnp.float32)
    W_cc = jax.random.normal(ks[7], (H, OUT_CC), dtype=jnp.float32) / np.sqrt(H)
    b_cc = jnp.zeros((OUT_CC,), dtype=jnp.float32)
    return {"x": x, "edge_index": edge_index, "batch": batch,
            "W1": W1, "b1": b1, "W2": W2, "b2": b2,
            "W_mf": W_mf, "b_mf": b_mf, "W_bp": W_bp, "b_bp": b_bp,
            "W_cc": W_cc, "b_cc": b_cc}


def _gcn_conv(x, src, dst, W, b, n):
    # GCNConv: linear transform, symmetric deg^-1/2 normalization (self-loops
    # already appended to src/dst), scatter-add aggregation, then bias.
    h = x @ W
    deg = jnp.zeros((n,), jnp.float32).at[dst].add(1.0)
    dinv = jax.lax.rsqrt(jnp.maximum(deg, 1.0))
    norm = dinv[src] * dinv[dst]
    msg = h[src] * norm[:, None]
    out = jnp.zeros((n, h.shape[1]), jnp.float32).at[dst].add(msg)
    return out + b


def reference(x, edge_index, batch, W1, b1, W2, b2, W_mf, b_mf, W_bp, b_bp, W_cc, b_cc):
    n = x.shape[0]
    loop = jnp.arange(n, dtype=edge_index.dtype)
    src = jnp.concatenate([edge_index[0], loop])
    dst = jnp.concatenate([edge_index[1], loop])
    h = jax.nn.relu(_gcn_conv(x, src, dst, W1, b1, n))
    # dropout_input (p=0.8) is identity in eval mode
    h = jax.nn.relu(_gcn_conv(h, src, dst, W2, b2, n))
    # dropout_hidden (p=0.3) is identity in eval mode
    summed = jax.ops.segment_sum(h, batch, num_segments=G)
    counts = jax.ops.segment_sum(jnp.ones((n,), jnp.float32), batch, num_segments=G)
    pooled = summed / jnp.maximum(counts, 1.0)[:, None]
    out_mf = pooled @ W_mf + b_mf
    out_bp = pooled @ W_bp + b_bp
    out_cc = pooled @ W_cc + b_cc
    return (out_mf, out_bp, out_cc)

if __name__ == "__main__":
    import jax
    _d = setup_inputs()
    print(jax.jit(kernel)(*tuple(_d.values())))

</pallas_src>

<mosaic_0001>
#map = affine_map<(d0, d1) -> (0)>
#map1 = affine_map<(d0, d1) -> (0, 0)>
module attributes {stable_mosaic.version = 14 : i64} {
  func.func @_deg_sc(%arg0: i32, %arg1: i32, %arg2: memref<327680xi32, #tpu.memory_space<hbm>>, %arg3: memref<640xf32, #tpu.memory_space<hbm>>, %arg4: memref<128xf32, #tpu.memory_space<hbm>>, %arg5: memref<2x10240xf32, #tpu.memory_space<hbm>>, %arg6: memref<10240xf32, #tpu.memory_space<vmem_shared>>, %arg7: memref<128xi32, #tpu.memory_space<vmem>>, %arg8: memref<128xf32, #tpu.memory_space<vmem>>) attributes {dimension_semantics = [#tpu.dimension_semantics<core_parallel>, #tpu.dimension_semantics<subcore_parallel>], iteration_bounds = array<i64: 2, 16>, scalar_prefetch = 0 : i64, scratch_operands = 3 : i64, tpu.core_type = #tpu.core_type<sc_vector_subcore>, window_params = [{transform_indices = #map}, {transform_indices = #map}, {transform_indices = #map}, {transform_indices = #map1}]} {
    %mul3A = arith.constant 16 : i32
    %mul3A_0 = arith.muli %arg0, %mul3A : i32
    %add3A = arith.addi %mul3A_0, %arg1 : i32
    "tpu.region"() ({
      %run_scoped3A = tpu.sem_alloc : memref<!tpu.dma_semaphore, #tpu.memory_space<semaphore_mem>>
      tpu.enqueue_dma source(%arg4 : memref<128xf32, #tpu.memory_space<hbm>>) target(%arg8 : memref<128xf32, #tpu.memory_space<vmem>>) target_semaphore(%run_scoped3A : memref<!tpu.dma_semaphore, #tpu.memory_space<semaphore_mem>>)
      tpu.wait_dma2 semaphore(%run_scoped3A : memref<!tpu.dma_semaphore, #tpu.memory_space<semaphore_mem>>) src(%arg4 : memref<128xf32, #tpu.memory_space<hbm>>) dst(%arg8 : memref<128xf32, #tpu.memory_space<vmem>>)
      tpu.yield
    }) : () -> ()
    %mul3A_1 = arith.constant 640 : i32
    %mul3A_2 = arith.muli %arg1, %mul3A_1 : i32
    "tpu.region"() ({
      %run_scoped3A = tpu.sem_alloc : memref<!tpu.dma_semaphore, #tpu.memory_space<semaphore_mem>>
      %dma_start3A = tpu.memref_slice %arg6[%mul3A_2] : memref<10240xf32, #tpu.memory_space<vmem_shared>> -> memref<640xf32, #tpu.memory_space<vmem_shared>>
      tpu.enqueue_dma source(%arg3 : memref<640xf32, #tpu.memory_space<hbm>>) target(%dma_start3A : memref<640xf32, #tpu.memory_space<vmem_shared>>) target_semaphore(%run_scoped3A : memref<!tpu.dma_semaphore, #tpu.memory_space<semaphore_mem>>)
      %dma_wait3A = tpu.memref_slice %arg6[%mul3A_2] : memref<10240xf32, #tpu.memory_space<vmem_shared>> -> memref<640xf32, #tpu.memory_space<vmem_shared>>
      tpu.wait_dma2 semaphore(%run_scoped3A : memref<!tpu.dma_semaphore, #tpu.memory_space<semaphore_mem>>) src(%arg3 : memref<640xf32, #tpu.memory_space<hbm>>) dst(%dma_wait3A : memref<640xf32, #tpu.memory_space<vmem_shared>>)
      tpu.yield
    }) : () -> ()
    %barrier3A = arith.constant 0 : index
    tpu.barrier barrier_id(%barrier3A)
    %scan3A = arith.constant 0 : i32
    %scan3A_3 = arith.constant 0 : i32
    %scan3A_4 = arith.constant 80 : i32
    %scan3A_5 = arith.addi %scan3A_3, %scan3A_4 : i32
    %scan3A_6 = arith.constant 1 : i32
    %scan3A_7 = scf.for %scan3A_14 = %scan3A_3 to %scan3A_5 step %scan3A_6 iter_args(%scan3A_15 = %scan3A) -> (i32)  : i32 {
      %mul3A_16 = arith.constant 10240 : i32
      %mul3A_17 = arith.muli %add3A, %mul3A_16 : i32
      %mul3A_18 = arith.constant 128 : i32
      %mul3A_19 = arith.muli %scan3A_14, %mul3A_18 : i32
      %add3A_20 = arith.addi %mul3A_17, %mul3A_19 : i32
      "tpu.region"() ({
        %run_scoped3A = tpu.sem_alloc : memref<!tpu.dma_semaphore, #tpu.memory_space<semaphore_mem>>
        %dma_start3A = tpu.memref_slice %arg2[%add3A_20] : memref<327680xi32, #tpu.memory_space<hbm>> -> memref<128xi32, #tpu.memory_space<hbm>>
        %dma_start3A_22 = tpu.memref_slice %arg2[%add3A_20] : memref<327680xi32, #tpu.memory_space<hbm>> -> memref<128xi32, #tpu.memory_space<hbm>>
        tpu.enqueue_dma source(%dma_start3A_22 : memref<128xi32, #tpu.memory_space<hbm>>) target(%arg7 : memref<128xi32, #tpu.memory_space<vmem>>) target_semaphore(%run_scoped3A : memref<!tpu.dma_semaphore, #tpu.memory_space<semaphore_mem>>)
        %dma_wait3A = tpu.memref_slice %arg2[%add3A_20] : memref<327680xi32, #tpu.memory_space<hbm>> -> memref<128xi32, #tpu.memory_space<hbm>>
        %dma_wait3A_23 = tpu.memref_slice %arg2[%add3A_20] : memref<327680xi32, #tpu.memory_space<hbm>> -> memref<128xi32, #tpu.memory_space<hbm>>
        tpu.wait_dma2 semaphore(%run_scoped3A : memref<!tpu.dma_semaphore, #tpu.memory_space<semaphore_mem>>) src(%dma_wait3A_23 : memref<128xi32, #tpu.memory_space<hbm>>) dst(%arg7 : memref<128xi32, #tpu.memory_space<vmem>>)
        tpu.yield
      }) : () -> ()
      "tpu.region"() ({
        %run_scoped3A = tpu.sem_alloc : memref<!tpu.dma_semaphore, #tpu.memory_space<semaphore_mem>>
        %dma_start3A = arith.constant 0 : i32
        %dma_start3A_22 = tpu.memref_slice %arg6[%dma_start3A] : memref<10240xf32, #tpu.memory_space<vmem_shared>> -> memref<10240xf32, #tpu.memory_space<vmem_shared>>
        tpu.enqueue_indirect_dma source(%arg8 : memref<128xf32, #tpu.memory_space<vmem>>) target(%dma_start3A_22 : memref<10240xf32, #tpu.memory_space<vmem_shared>>) offsets(%arg7 : memref<128xi32, #tpu.memory_space<vmem>>) semaphore(%run_scoped3A : memref<!tpu.dma_semaphore, #tpu.memory_space<semaphore_mem>>) {add = true}
        %dma_wait3A = arith.constant 0 : i32
        %dma_wait3A_23 = tpu.memref_slice %arg6[%dma_wait3A] : memref<10240xf32, #tpu.memory_space<vmem_shared>> -> memref<10240xf32, #tpu.memory_space<vmem_shared>>
        tpu.wait_indirect_dma semaphore(%run_scoped3A : memref<!tpu.dma_semaphore, #tpu.memory_space<semaphore_mem>>) src(%arg8 : memref<128xf32, #tpu.memory_space<vmem>>) dst(%dma_wait3A_23 : memref<10240xf32, #tpu.memory_space<vmem_shared>>)
        tpu.yield
      }) : () -> ()
      %scan3A_21 = arith.constant 0 : i32
      scf.yield %scan3A_21 : i32
    }
    %scan3A_8 = arith.constant 80 : i32
    %barrier3A_9 = arith.constant 0 : index
    tpu.barrier barrier_id(%barrier3A_9)
    %mul3A_10 = arith.constant 640 : i32
    %mul3A_11 = arith.muli %arg1, %mul3A_10 : i32
    %mul3A_12 = arith.constant 640 : i32
    %mul3A_13 = arith.muli %arg1, %mul3A_12 : i32
    "tpu.region"() ({
      %run_scoped3A = tpu.sem_alloc : memref<!tpu.dma_semaphore, #tpu.memory_space<semaphore_mem>>
      %dma_start3A = tpu.memref_slice %arg5[%arg0, %mul3A_13] : memref<2x10240xf32, #tpu.memory_space<hbm>> -> memref<1x640xf32, #tpu.memory_space<hbm>>
      %dma_start3A_14 = tpu.memref_squeeze %dma_start3A : memref<1x640xf32, #tpu.memory_space<hbm>> -> memref<640xf32, #tpu.memory_space<hbm>>
      %dma_start3A_15 = tpu.memref_slice %arg6[%mul3A_11] : memref<10240xf32, #tpu.memory_space<vmem_shared>> -> memref<640xf32, #tpu.memory_space<vmem_shared>>
      tpu.enqueue_dma source(%dma_start3A_15 : memref<640xf32, #tpu.memory_space<vmem_shared>>) target(%dma_start3A_14 : memref<640xf32, #tpu.memory_space<hbm>>) target_semaphore(%run_scoped3A : memref<!tpu.dma_semaphore, #tpu.memory_space<semaphore_mem>>)
      %dma_wait3A = tpu.memref_slice %arg5[%arg0, %mul3A_13] : memref<2x10240xf32, #tpu.memory_space<hbm>> -> memref<1x640xf32, #tpu.memory_space<hbm>>
      %dma_wait3A_16 = tpu.memref_squeeze %dma_wait3A : memref<1x640xf32, #tpu.memory_space<hbm>> -> memref<640xf32, #tpu.memory_space<hbm>>
      %dma_wait3A_17 = tpu.memref_slice %arg6[%mul3A_11] : memref<10240xf32, #tpu.memory_space<vmem_shared>> -> memref<640xf32, #tpu.memory_space<vmem_shared>>
      tpu.wait_dma2 semaphore(%run_scoped3A : memref<!tpu.dma_semaphore, #tpu.memory_space<semaphore_mem>>) src(%dma_wait3A_17 : memref<640xf32, #tpu.memory_space<vmem_shared>>) dst(%dma_wait3A_16 : memref<640xf32, #tpu.memory_space<hbm>>)
      tpu.yield
    }) : () -> ()
    return
  }
}

#map = affine_map<(d0, d1) -> (0, 0)>
#map1 = affine_map<(d0, d1) -> (0)>
#map2 = affine_map<(d0, d1) -> (0, 0, 0)>
module attributes {stable_mosaic.version = 14 : i64} {
  func.func @_agg_sc(%arg0: i32, %arg1: i32, %arg2: memref<10240x64xf32, #tpu.memory_space<hbm>>, %arg3: memref<327680xi32, #tpu.memory_space<hbm>>, %arg4: memref<327680xi32, #tpu.memory_space<hbm>>, %arg5: memref<640x64xf32, #tpu.memory_space<hbm>>, %arg6: memref<2x10240x64xf32, #tpu.memory_space<hbm>>, %arg7: memref<10240x64xf32, #tpu.memory_space<vmem_shared>>, %arg8: memref<128xi32, #tpu.memory_space<vmem>>, %arg9: memref<128xi32, #tpu.memory_space<vmem>>, %arg10: memref<128x64xf32, #tpu.memory_space<vmem>>, %arg11: memref<!tpu.dma_semaphore, #tpu.memory_space<semaphore_mem>>) attributes {dimension_semantics = [#tpu.dimension_semantics<core_parallel>, #tpu.dimension_semantics<subcore_parallel>], iteration_bounds = array<i64: 2, 16>, scalar_prefetch = 0 : i64, scratch_operands = 5 : i64, tpu.core_type = #tpu.core_type<sc_vector_subcore>, window_params = [{transform_indices = #map}, {transform_indices = #map1}, {transform_indices = #map1}, {transform_indices = #map}, {transform_indices = #map2}]} {
    %mul3A = arith.constant 16 : i32
    %mul3A_0 = arith.muli %arg0, %mul3A : i32
    %add3A = arith.addi %mul3A_0, %arg1 : i32
    %mul3A_1 = arith.constant 640 : i32
    %mul3A_2 = arith.muli %arg1, %mul3A_1 : i32
    "tpu.region"() ({
      %run_scoped3A = tpu.sem_alloc : memref<!tpu.dma_semaphore, #tpu.memory_space<semaphore_mem>>
      %dma_start3A = arith.constant 0 : i32
      %dma_start3A_14 = tpu.memref_slice %arg7[%mul3A_2, %dma_start3A] : memref<10240x64xf32, #tpu.memory_space<vmem_shared>> -> memref<640x64xf32, #tpu.memory_space<vmem_shared>>
      tpu.enqueue_dma source(%arg5 : memref<640x64xf32, #tpu.memory_space<hbm>>) target(%dma_start3A_14 : memref<640x64xf32, #tpu.memory_space<vmem_shared>>) target_semaphore(%run_scoped3A : memref<!tpu.dma_semaphore, #tpu.memory_space<semaphore_mem>>)
      %dma_wait3A = arith.constant 0 : i32
      %dma_wait3A_15 = tpu.memref_slice %arg7[%mul3A_2, %dma_wait3A] : memref<10240x64xf32, #tpu.memory_space<vmem_shared>> -> memref<640x64xf32, #tpu.memory_space<vmem_shared>>
      tpu.wait_dma2 semaphore(%run_scoped3A : memref<!tpu.dma_semaphore, #tpu.memory_space<semaphore_mem>>) src(%arg5 : memref<640x64xf32, #tpu.memory_space<hbm>>) dst(%dma_wait3A_15 : memref<640x64xf32, #tpu.memory_space<vmem_shared>>)
      tpu.yield
    }) : () -> ()
    %barrier3A = arith.constant 0 : index
    tpu.barrier barrier_id(%barrier3A)
    %scan3A = arith.constant 0 : i32
    %scan3A_3 = arith.constant 0 : i32
    %scan3A_4 = arith.constant 80 : i32
    %scan3A_5 = arith.addi %scan3A_3, %scan3A_4 : i32
    %scan3A_6 = arith.constant 1 : i32
    %scan3A_7 = scf.for %scan3A_14 = %scan3A_3 to %scan3A_5 step %scan3A_6 iter_args(%scan3A_15 = %scan3A) -> (i32)  : i32 {
      %mul3A_16 = arith.constant 10240 : i32
      %mul3A_17 = arith.muli %add3A, %mul3A_16 : i32
      %mul3A_18 = arith.constant 128 : i32
      %mul3A_19 = arith.muli %scan3A_14, %mul3A_18 : i32
      %add3A_20 = arith.addi %mul3A_17, %mul3A_19 : i32
      "tpu.region"() ({
        %run_scoped3A = tpu.sem_alloc : memref<!tpu.dma_semaphore, #tpu.memory_space<semaphore_mem>>
        %dma_start3A_26 = tpu.memref_slice %arg3[%add3A_20] : memref<327680xi32, #tpu.memory_space<hbm>> -> memref<128xi32, #tpu.memory_space<hbm>>
        %dma_start3A_27 = tpu.memref_slice %arg3[%add3A_20] : memref<327680xi32, #tpu.memory_space<hbm>> -> memref<128xi32, #tpu.memory_space<hbm>>
        tpu.enqueue_dma source(%dma_start3A_27 : memref<128xi32, #tpu.memory_space<hbm>>) target(%arg8 : memref<128xi32, #tpu.memory_space<vmem>>) target_semaphore(%run_scoped3A : memref<!tpu.dma_semaphore, #tpu.memory_space<semaphore_mem>>)
        %dma_wait3A_28 = tpu.memref_slice %arg3[%add3A_20] : memref<327680xi32, #tpu.memory_space<hbm>> -> memref<128xi32, #tpu.memory_space<hbm>>
        %dma_wait3A_29 = tpu.memref_slice %arg3[%add3A_20] : memref<327680xi32, #tpu.memory_space<hbm>> -> memref<128xi32, #tpu.memory_space<hbm>>
        tpu.wait_dma2 semaphore(%run_scoped3A : memref<!tpu.dma_semaphore, #tpu.memory_space<semaphore_mem>>) src(%dma_wait3A_29 : memref<128xi32, #tpu.memory_space<hbm>>) dst(%arg8 : memref<128xi32, #tpu.memory_space<vmem>>)
        tpu.yield
      }) : () -> ()
      "tpu.region"() ({
        %run_scoped3A = tpu.sem_alloc : memref<!tpu.dma_semaphore, #tpu.memory_space<semaphore_mem>>
        %dma_start3A_26 = tpu.memref_slice %arg4[%add3A_20] : memref<327680xi32, #tpu.memory_space<hbm>> -> memref<128xi32, #tpu.memory_space<hbm>>
        %dma_start3A_27 = tpu.memref_slice %arg4[%add3A_20] : memref<327680xi32, #tpu.memory_space<hbm>> -> memref<128xi32, #tpu.memory_space<hbm>>
        tpu.enqueue_dma source(%dma_start3A_27 : memref<128xi32, #tpu.memory_space<hbm>>) target(%arg9 : memref<128xi32, #tpu.memory_space<vmem>>) target_semaphore(%run_scoped3A : memref<!tpu.dma_semaphore, #tpu.memory_space<semaphore_mem>>)
        %dma_wait3A_28 = tpu.memref_slice %arg4[%add3A_20] : memref<327680xi32, #tpu.memory_space<hbm>> -> memref<128xi32, #tpu.memory_space<hbm>>
        %dma_wait3A_29 = tpu.memref_slice %arg4[%add3A_20] : memref<327680xi32, #tpu.memory_space<hbm>> -> memref<128xi32, #tpu.memory_space<hbm>>
        tpu.wait_dma2 semaphore(%run_scoped3A : memref<!tpu.dma_semaphore, #tpu.memory_space<semaphore_mem>>) src(%dma_wait3A_29 : memref<128xi32, #tpu.memory_space<hbm>>) dst(%arg9 : memref<128xi32, #tpu.memory_space<vmem>>)
        tpu.yield
      }) : () -> ()
      %dma_start3A = arith.constant 0 : i32
      %dma_start3A_21 = arith.constant 0 : i32
      %dma_start3A_22 = tpu.memref_slice %arg2[%dma_start3A, %dma_start3A_21] : memref<10240x64xf32, #tpu.memory_space<hbm>> -> memref<10240x64xf32, #tpu.memory_space<hbm>>
      tpu.enqueue_indirect_dma source(%dma_start3A_22 : memref<10240x64xf32, #tpu.memory_space<hbm>>) target(%arg10 : memref<128x64xf32, #tpu.memory_space<vmem>>) offsets(%arg8 : memref<128xi32, #tpu.memory_space<vmem>>) semaphore(%arg11 : memref<!tpu.dma_semaphore, #tpu.memory_space<semaphore_mem>>)
      %dma_wait3A = arith.constant 0 : i32
      %dma_wait3A_23 = arith.constant 0 : i32
      %dma_wait3A_24 = tpu.memref_slice %arg2[%dma_wait3A, %dma_wait3A_23] : memref<10240x64xf32, #tpu.memory_space<hbm>> -> memref<10240x64xf32, #tpu.memory_space<hbm>>
      tpu.wait_indirect_dma semaphore(%arg11 : memref<!tpu.dma_semaphore, #tpu.memory_space<semaphore_mem>>) src(%dma_wait3A_24 : memref<10240x64xf32, #tpu.memory_space<hbm>>) dst(%arg10 : memref<128x64xf32, #tpu.memory_space<vmem>>)
      "tpu.region"() ({
        %run_scoped3A = tpu.sem_alloc : memref<!tpu.dma_semaphore, #tpu.memory_space<semaphore_mem>>
        %dma_start3A_26 = arith.constant 0 : i32
        %dma_start3A_27 = arith.constant 0 : i32
        %dma_start3A_28 = tpu.memref_slice %arg7[%dma_start3A_26, %dma_start3A_27] : memref<10240x64xf32, #tpu.memory_space<vmem_shared>> -> memref<10240x64xf32, #tpu.memory_space<vmem_shared>>
        tpu.enqueue_indirect_dma source(%arg10 : memref<128x64xf32, #tpu.memory_space<vmem>>) target(%dma_start3A_28 : memref<10240x64xf32, #tpu.memory_space<vmem_shared>>) offsets(%arg9 : memref<128xi32, #tpu.memory_space<vmem>>) semaphore(%run_scoped3A : memref<!tpu.dma_semaphore, #tpu.memory_space<semaphore_mem>>) {add = true}
        %dma_wait3A_29 = arith.constant 0 : i32
        %dma_wait3A_30 = arith.constant 0 : i32
        %dma_wait3A_31 = tpu.memref_slice %arg7[%dma_wait3A_29, %dma_wait3A_30] : memref<10240x64xf32, #tpu.memory_space<vmem_shared>> -> memref<10240x64xf32, #tpu.memory_space<vmem_shared>>
        tpu.wait_indirect_dma semaphore(%run_scoped3A : memref<!tpu.dma_semaphore, #tpu.memory_space<semaphore_mem>>) src(%arg10 : memref<128x64xf32, #tpu.memory_space<vmem>>) dst(%dma_wait3A_31 : memref<10240x64xf32, #tpu.memory_space<vmem_shared>>)
        tpu.yield
      }) : () -> ()
      %scan3A_25 = arith.constant 0 : i32
      scf.yield %scan3A_25 : i32
    }
    %scan3A_8 = arith.constant 80 : i32
    %barrier3A_9 = arith.constant 0 : index
    tpu.barrier barrier_id(%barrier3A_9)
    %mul3A_10 = arith.constant 640 : i32
    %mul3A_11 = arith.muli %arg1, %mul3A_10 : i32
    %mul3A_12 = arith.constant 640 : i32
    %mul3A_13 = arith.muli %arg1, %mul3A_12 : i32
    "tpu.region"() ({
      %run_scoped3A = tpu.sem_alloc : memref<!tpu.dma_semaphore, #tpu.memory_space<semaphore_mem>>
      %dma_start3A = arith.constant 0 : i32
      %dma_start3A_14 = tpu.memref_slice %arg6[%arg0, %mul3A_13, %dma_start3A] : memref<2x10240x64xf32, #tpu.memory_space<hbm>> -> memref<1x640x64xf32, #tpu.memory_space<hbm>>
      %dma_start3A_15 = tpu.memref_squeeze %dma_start3A_14 : memref<1x640x64xf32, #tpu.memory_space<hbm>> -> memref<640x64xf32, #tpu.memory_space<hbm>>
      %dma_start3A_16 = arith.constant 0 : i32
      %dma_start3A_17 = tpu.memref_slice %arg7[%mul3A_11, %dma_start3A_16] : memref<10240x64xf32, #tpu.memory_space<vmem_shared>> -> memref<640x64xf32, #tpu.memory_space<vmem_shared>>
      tpu.enqueue_dma source(%dma_start3A_17 : memref<640x64xf32, #tpu.memory_space<vmem_shared>>) target(%dma_start3A_15 : memref<640x64xf32, #tpu.memory_space<hbm>>) target_semaphore(%run_scoped3A : memref<!tpu.dma_semaphore, #tpu.memory_space<semaphore_mem>>)
      %dma_wait3A = arith.constant 0 : i32
      %dma_wait3A_18 = tpu.memref_slice %arg6[%arg0, %mul3A_13, %dma_wait3A] : memref<2x10240x64xf32, #tpu.memory_space<hbm>> -> memref<1x640x64xf32, #tpu.memory_space<hbm>>
      %dma_wait3A_19 = tpu.memref_squeeze %dma_wait3A_18 : memref<1x640x64xf32, #tpu.memory_space<hbm>> -> memref<640x64xf32, #tpu.memory_space<hbm>>
      %dma_wait3A_20 = arith.constant 0 : i32
      %dma_wait3A_21 = tpu.memref_slice %arg7[%mul3A_11, %dma_wait3A_20] : memref<10240x64xf32, #tpu.memory_space<vmem_shared>> -> memref<640x64xf32, #tpu.memory_space<vmem_shared>>
      tpu.wait_dma2 semaphore(%run_scoped3A : memref<!tpu.dma_semaphore, #tpu.memory_space<semaphore_mem>>) src(%dma_wait3A_21 : memref<640x64xf32, #tpu.memory_space<vmem_shared>>) dst(%dma_wait3A_19 : memref<640x64xf32, #tpu.memory_space<hbm>>)
      tpu.yield
    }) : () -> ()
    return
  }
}

#map = affine_map<(d0, d1) -> (0, 0)>
#map1 = affine_map<(d0, d1) -> (0)>
#map2 = affine_map<(d0, d1) -> (0, 0, 0)>
module attributes {stable_mosaic.version = 14 : i64} {
  func.func @_agg_sc(%arg0: i32, %arg1: i32, %arg2: memref<10240x64xf32, #tpu.memory_space<hbm>>, %arg3: memref<327680xi32, #tpu.memory_space<hbm>>, %arg4: memref<327680xi32, #tpu.memory_space<hbm>>, %arg5: memref<640x64xf32, #tpu.memory_space<hbm>>, %arg6: memref<2x10240x64xf32, #tpu.memory_space<hbm>>, %arg7: memref<10240x64xf32, #tpu.memory_space<vmem_shared>>, %arg8: memref<128xi32, #tpu.memory_space<vmem>>, %arg9: memref<128xi32, #tpu.memory_space<vmem>>, %arg10: memref<128x64xf32, #tpu.memory_space<vmem>>, %arg11: memref<!tpu.dma_semaphore, #tpu.memory_space<semaphore_mem>>) attributes {dimension_semantics = [#tpu.dimension_semantics<core_parallel>, #tpu.dimension_semantics<subcore_parallel>], iteration_bounds = array<i64: 2, 16>, scalar_prefetch = 0 : i64, scratch_operands = 5 : i64, tpu.core_type = #tpu.core_type<sc_vector_subcore>, window_params = [{transform_indices = #map}, {transform_indices = #map1}, {transform_indices = #map1}, {transform_indices = #map}, {transform_indices = #map2}]} {
    %mul3A = arith.constant 16 : i32
    %mul3A_0 = arith.muli %arg0, %mul3A : i32
    %add3A = arith.addi %mul3A_0, %arg1 : i32
    %mul3A_1 = arith.constant 640 : i32
    %mul3A_2 = arith.muli %arg1, %mul3A_1 : i32
    "tpu.region"() ({
      %run_scoped3A = tpu.sem_alloc : memref<!tpu.dma_semaphore, #tpu.memory_space<semaphore_mem>>
      %dma_start3A = arith.constant 0 : i32
      %dma_start3A_14 = tpu.memref_slice %arg7[%mul3A_2, %dma_start3A] : memref<10240x64xf32, #tpu.memory_space<vmem_shared>> -> memref<640x64xf32, #tpu.memory_space<vmem_shared>>
      tpu.enqueue_dma source(%arg5 : memref<640x64xf32, #tpu.memory_space<hbm>>) target(%dma_start3A_14 : memref<640x64xf32, #tpu.memory_space<vmem_shared>>) target_semaphore(%run_scoped3A : memref<!tpu.dma_semaphore, #tpu.memory_space<semaphore_mem>>)
      %dma_wait3A = arith.constant 0 : i32
      %dma_wait3A_15 = tpu.memref_slice %arg7[%mul3A_2, %dma_wait3A] : memref<10240x64xf32, #tpu.memory_space<vmem_shared>> -> memref<640x64xf32, #tpu.memory_space<vmem_shared>>
      tpu.wait_dma2 semaphore(%run_scoped3A : memref<!tpu.dma_semaphore, #tpu.memory_space<semaphore_mem>>) src(%arg5 : memref<640x64xf32, #tpu.memory_space<hbm>>) dst(%dma_wait3A_15 : memref<640x64xf32, #tpu.memory_space<vmem_shared>>)
      tpu.yield
    }) : () -> ()
    %barrier3A = arith.constant 0 : index
    tpu.barrier barrier_id(%barrier3A)
    %scan3A = arith.constant 0 : i32
    %scan3A_3 = arith.constant 0 : i32
    %scan3A_4 = arith.constant 80 : i32
    %scan3A_5 = arith.addi %scan3A_3, %scan3A_4 : i32
    %scan3A_6 = arith.constant 1 : i32
    %scan3A_7 = scf.for %scan3A_14 = %scan3A_3 to %scan3A_5 step %scan3A_6 iter_args(%scan3A_15 = %scan3A) -> (i32)  : i32 {
      %mul3A_16 = arith.constant 10240 : i32
      %mul3A_17 = arith.muli %add3A, %mul3A_16 : i32
      %mul3A_18 = arith.constant 128 : i32
      %mul3A_19 = arith.muli %scan3A_14, %mul3A_18 : i32
      %add3A_20 = arith.addi %mul3A_17, %mul3A_19 : i32
      "tpu.region"() ({
        %run_scoped3A = tpu.sem_alloc : memref<!tpu.dma_semaphore, #tpu.memory_space<semaphore_mem>>
        %dma_start3A_26 = tpu.memref_slice %arg3[%add3A_20] : memref<327680xi32, #tpu.memory_space<hbm>> -> memref<128xi32, #tpu.memory_space<hbm>>
        %dma_start3A_27 = tpu.memref_slice %arg3[%add3A_20] : memref<327680xi32, #tpu.memory_space<hbm>> -> memref<128xi32, #tpu.memory_space<hbm>>
        tpu.enqueue_dma source(%dma_start3A_27 : memref<128xi32, #tpu.memory_space<hbm>>) target(%arg8 : memref<128xi32, #tpu.memory_space<vmem>>) target_semaphore(%run_scoped3A : memref<!tpu.dma_semaphore, #tpu.memory_space<semaphore_mem>>)
        %dma_wait3A_28 = tpu.memref_slice %arg3[%add3A_20] : memref<327680xi32, #tpu.memory_space<hbm>> -> memref<128xi32, #tpu.memory_space<hbm>>
        %dma_wait3A_29 = tpu.memref_slice %arg3[%add3A_20] : memref<327680xi32, #tpu.memory_space<hbm>> -> memref<128xi32, #tpu.memory_space<hbm>>
        tpu.wait_dma2 semaphore(%run_scoped3A : memref<!tpu.dma_semaphore, #tpu.memory_space<semaphore_mem>>) src(%dma_wait3A_29 : memref<128xi32, #tpu.memory_space<hbm>>) dst(%arg8 : memref<128xi32, #tpu.memory_space<vmem>>)
        tpu.yield
      }) : () -> ()
      "tpu.region"() ({
        %run_scoped3A = tpu.sem_alloc : memref<!tpu.dma_semaphore, #tpu.memory_space<semaphore_mem>>
        %dma_start3A_26 = tpu.memref_slice %arg4[%add3A_20] : memref<327680xi32, #tpu.memory_space<hbm>> -> memref<128xi32, #tpu.memory_space<hbm>>
        %dma_start3A_27 = tpu.memref_slice %arg4[%add3A_20] : memref<327680xi32, #tpu.memory_space<hbm>> -> memref<128xi32, #tpu.memory_space<hbm>>
        tpu.enqueue_dma source(%dma_start3A_27 : memref<128xi32, #tpu.memory_space<hbm>>) target(%arg9 : memref<128xi32, #tpu.memory_space<vmem>>) target_semaphore(%run_scoped3A : memref<!tpu.dma_semaphore, #tpu.memory_space<semaphore_mem>>)
        %dma_wait3A_28 = tpu.memref_slice %arg4[%add3A_20] : memref<327680xi32, #tpu.memory_space<hbm>> -> memref<128xi32, #tpu.memory_space<hbm>>
        %dma_wait3A_29 = tpu.memref_slice %arg4[%add3A_20] : memref<327680xi32, #tpu.memory_space<hbm>> -> memref<128xi32, #tpu.memory_space<hbm>>
        tpu.wait_dma2 semaphore(%run_scoped3A : memref<!tpu.dma_semaphore, #tpu.memory_space<semaphore_mem>>) src(%dma_wait3A_29 : memref<128xi32, #tpu.memory_space<hbm>>) dst(%arg9 : memref<128xi32, #tpu.memory_space<vmem>>)
        tpu.yield
      }) : () -> ()
      %dma_start3A = arith.constant 0 : i32
      %dma_start3A_21 = arith.constant 0 : i32
      %dma_start3A_22 = tpu.memref_slice %arg2[%dma_start3A, %dma_start3A_21] : memref<10240x64xf32, #tpu.memory_space<hbm>> -> memref<10240x64xf32, #tpu.memory_space<hbm>>
      tpu.enqueue_indirect_dma source(%dma_start3A_22 : memref<10240x64xf32, #tpu.memory_space<hbm>>) target(%arg10 : memref<128x64xf32, #tpu.memory_space<vmem>>) offsets(%arg8 : memref<128xi32, #tpu.memory_space<vmem>>) semaphore(%arg11 : memref<!tpu.dma_semaphore, #tpu.memory_space<semaphore_mem>>)
      %dma_wait3A = arith.constant 0 : i32
      %dma_wait3A_23 = arith.constant 0 : i32
      %dma_wait3A_24 = tpu.memref_slice %arg2[%dma_wait3A, %dma_wait3A_23] : memref<10240x64xf32, #tpu.memory_space<hbm>> -> memref<10240x64xf32, #tpu.memory_space<hbm>>
      tpu.wait_indirect_dma semaphore(%arg11 : memref<!tpu.dma_semaphore, #tpu.memory_space<semaphore_mem>>) src(%dma_wait3A_24 : memref<10240x64xf32, #tpu.memory_space<hbm>>) dst(%arg10 : memref<128x64xf32, #tpu.memory_space<vmem>>)
      "tpu.region"() ({
        %run_scoped3A = tpu.sem_alloc : memref<!tpu.dma_semaphore, #tpu.memory_space<semaphore_mem>>
        %dma_start3A_26 = arith.constant 0 : i32
        %dma_start3A_27 = arith.constant 0 : i32
        %dma_start3A_28 = tpu.memref_slice %arg7[%dma_start3A_26, %dma_start3A_27] : memref<10240x64xf32, #tpu.memory_space<vmem_shared>> -> memref<10240x64xf32, #tpu.memory_space<vmem_shared>>
        tpu.enqueue_indirect_dma source(%arg10 : memref<128x64xf32, #tpu.memory_space<vmem>>) target(%dma_start3A_28 : memref<10240x64xf32, #tpu.memory_space<vmem_shared>>) offsets(%arg9 : memref<128xi32, #tpu.memory_space<vmem>>) semaphore(%run_scoped3A : memref<!tpu.dma_semaphore, #tpu.memory_space<semaphore_mem>>) {add = true}
        %dma_wait3A_29 = arith.constant 0 : i32
        %dma_wait3A_30 = arith.constant 0 : i32
        %dma_wait3A_31 = tpu.memref_slice %arg7[%dma_wait3A_29, %dma_wait3A_30] : memref<10240x64xf32, #tpu.memory_space<vmem_shared>> -> memref<10240x64xf32, #tpu.memory_space<vmem_shared>>
        tpu.wait_indirect_dma semaphore(%run_scoped3A : memref<!tpu.dma_semaphore, #tpu.memory_space<semaphore_mem>>) src(%arg10 : memref<128x64xf32, #tpu.memory_space<vmem>>) dst(%dma_wait3A_31 : memref<10240x64xf32, #tpu.memory_space<vmem_shared>>)
        tpu.yield
      }) : () -> ()
      %scan3A_25 = arith.constant 0 : i32
      scf.yield %scan3A_25 : i32
    }
    %scan3A_8 = arith.constant 80 : i32
    %barrier3A_9 = arith.constant 0 : index
    tpu.barrier barrier_id(%barrier3A_9)
    %mul3A_10 = arith.constant 640 : i32
    %mul3A_11 = arith.muli %arg1, %mul3A_10 : i32
    %mul3A_12 = arith.constant 640 : i32
    %mul3A_13 = arith.muli %arg1, %mul3A_12 : i32
    "tpu.region"() ({
      %run_scoped3A = tpu.sem_alloc : memref<!tpu.dma_semaphore, #tpu.memory_space<semaphore_mem>>
      %dma_start3A = arith.constant 0 : i32
      %dma_start3A_14 = tpu.memref_slice %arg6[%arg0, %mul3A_13, %dma_start3A] : memref<2x10240x64xf32, #tpu.memory_space<hbm>> -> memref<1x640x64xf32, #tpu.memory_space<hbm>>
      %dma_start3A_15 = tpu.memref_squeeze %dma_start3A_14 : memref<1x640x64xf32, #tpu.memory_space<hbm>> -> memref<640x64xf32, #tpu.memory_space<hbm>>
      %dma_start3A_16 = arith.constant 0 : i32
      %dma_start3A_17 = tpu.memref_slice %arg7[%mul3A_11, %dma_start3A_16] : memref<10240x64xf32, #tpu.memory_space<vmem_shared>> -> memref<640x64xf32, #tpu.memory_space<vmem_shared>>
      tpu.enqueue_dma source(%dma_start3A_17 : memref<640x64xf32, #tpu.memory_space<vmem_shared>>) target(%dma_start3A_15 : memref<640x64xf32, #tpu.memory_space<hbm>>) target_semaphore(%run_scoped3A : memref<!tpu.dma_semaphore, #tpu.memory_space<semaphore_mem>>)
      %dma_wait3A = arith.constant 0 : i32
      %dma_wait3A_18 = tpu.memref_slice %arg6[%arg0, %mul3A_13, %dma_wait3A] : memref<2x10240x64xf32, #tpu.memory_space<hbm>> -> memref<1x640x64xf32, #tpu.memory_space<hbm>>
      %dma_wait3A_19 = tpu.memref_squeeze %dma_wait3A_18 : memref<1x640x64xf32, #tpu.memory_space<hbm>> -> memref<640x64xf32, #tpu.memory_space<hbm>>
      %dma_wait3A_20 = arith.constant 0 : i32
      %dma_wait3A_21 = tpu.memref_slice %arg7[%mul3A_11, %dma_wait3A_20] : memref<10240x64xf32, #tpu.memory_space<vmem_shared>> -> memref<640x64xf32, #tpu.memory_space<vmem_shared>>
      tpu.wait_dma2 semaphore(%run_scoped3A : memref<!tpu.dma_semaphore, #tpu.memory_space<semaphore_mem>>) src(%dma_wait3A_21 : memref<640x64xf32, #tpu.memory_space<vmem_shared>>) dst(%dma_wait3A_19 : memref<640x64xf32, #tpu.memory_space<hbm>>)
      tpu.yield
    }) : () -> ()
    return
  }
}

module attributes {stable_mosaic.version = 14 : i64} {
  func.func @_l1_tc(%arg0: i32, %arg1: memref<1024x128xf32, #tpu.memory_space<vmem>>, %arg2: memref<128x64xf32, #tpu.memory_space<vmem>>, %arg3: memref<2x1024xf32, #tpu.memory_space<vmem>>, %arg4: memref<1024x64xf32, #tpu.memory_space<vmem>>, %arg5: memref<1024x1xf32, #tpu.memory_space<vmem>>) attributes {dimension_semantics = [#tpu.dimension_semantics<arbitrary>], iteration_bounds = array<i64: 10>, scalar_prefetch = 0 : i64, scratch_operands = 0 : i64, tpu.core_type = #tpu.core_type<tc>, window_params = [{transform_indices = @transform_0, window_bounds = array<i64: 1024, 128>}, {pipeline_mode = #tpu.pipeline_mode<synchronous>, transform_indices = @transform_1, window_bounds = array<i64: 128, 64>}, {transform_indices = @transform_2, window_bounds = array<i64: 2, 1024>}, {transform_indices = @transform_3, window_bounds = array<i64: 1024, 64>}, {transform_indices = @transform_4, window_bounds = array<i64: 1024, 1>}]} {
    %get3A = arith.constant 0 : index
    %get3A_0 = arith.constant 0 : index
    %get3A_1 = vector.load %arg3[%get3A, %get3A_0] : memref<2x1024xf32, #tpu.memory_space<vmem>>, vector<1x1024xf32>
    %get3A_2 = vector.shape_cast %get3A_1 : vector<1x1024xf32> to vector<1024xf32>
    %get3A_3 = arith.constant 1 : index
    %get3A_4 = arith.constant 0 : index
    %get3A_5 = vector.load %arg3[%get3A_3, %get3A_4] : memref<2x1024xf32, #tpu.memory_space<vmem>>, vector<1x1024xf32>
    %get3A_6 = vector.shape_cast %get3A_5 : vector<1x1024xf32> to vector<1024xf32>
    %add3A = arith.addf %get3A_2, %get3A_6 : vector<1024xf32>
    %add3A_7 = arith.constant 1.000000e+00 : f32
    %add3A_8 = vector.broadcast %add3A_7 : f32 to vector<1024xf32>
    %add3A_9 = arith.addf %add3A, %add3A_8 : vector<1024xf32>
    %rsqrt3A = math.rsqrt %add3A_9 : vector<1024xf32>
    %broadcast_in_dim3A = vector.shape_cast %rsqrt3A : vector<1024xf32> to vector<1024x1xf32>
    %get3A_10 = arith.constant 0 : index
    %get3A_11 = arith.constant 0 : index
    %get3A_12 = vector.load %arg1[%get3A_10, %get3A_11] : memref<1024x128xf32, #tpu.memory_space<vmem>>, vector<1024x128xf32>
    %get3A_13 = arith.constant 0 : index
    %get3A_14 = arith.constant 0 : index
    %get3A_15 = vector.load %arg2[%get3A_13, %get3A_14] : memref<128x64xf32, #tpu.memory_space<vmem>>, vector<128x64xf32>
    %dot_general3A = arith.constant dense<0.000000e+00> : vector<1024x64xf32>
    %dot_general3A_16 = tpu.matmul %get3A_12, %get3A_15, %dot_general3A {dimension_numbers = #tpu.dot_dimension_numbers<[1], [0], [0], [1], [0, 0, 1, 1], [], []>, transpose_lhs_hint = false} : vector<1024x128xf32>, vector<128x64xf32>, vector<1024x64xf32> -> vector<1024x64xf32>
    %mul3A = vector.broadcast %broadcast_in_dim3A : vector<1024x1xf32> to vector<1024x64xf32>
    %mul3A_17 = arith.mulf %dot_general3A_16, %mul3A : vector<1024x64xf32>
    %swap3A = arith.constant 0 : index
    %swap3A_18 = arith.constant 0 : index
    %swap3A_19 = vector.load %arg4[%swap3A, %swap3A_18] : memref<1024x64xf32, #tpu.memory_space<vmem>>, vector<1024x64xf32>
    tpu.vector_store %arg4[%swap3A, %swap3A_18], %mul3A_17 {strides = array<i32>} : memref<1024x64xf32, #tpu.memory_space<vmem>>, vector<1024x64xf32>,
    %swap3A_20 = arith.constant 0 : index
    %swap3A_21 = arith.constant 0 : index
    %swap3A_22 = vector.load %arg5[%swap3A_20, %swap3A_21] : memref<1024x1xf32, #tpu.memory_space<vmem>>, vector<1024x1xf32>
    tpu.vector_store %arg5[%swap3A_20, %swap3A_21], %broadcast_in_dim3A {strides = array<i32>} : memref<1024x1xf32, #tpu.memory_space<vmem>>, vector<1024x1xf32>,
    return
  }
  func.func @transform_0(%arg0: i32) -> (i32, i32) {
    %c0_i32 = arith.constant 0 : i32
    %c0_i32_0 = arith.constant 0 : i32
    return %arg0, %c0_i32 : i32, i32
  }
  func.func @transform_1(%arg0: i32) -> (i32, i32) {
    %c0_i32 = arith.constant 0 : i32
    %c0_i32_0 = arith.constant 0 : i32
    %c0_i32_1 = arith.constant 0 : i32
    return %c0_i32, %c0_i32_0 : i32, i32
  }
  func.func @transform_2(%arg0: i32) -> (i32, i32) {
    %c0_i32 = arith.constant 0 : i32
    %c0_i32_0 = arith.constant 0 : i32
    return %c0_i32, %arg0 : i32, i32
  }
  func.func @transform_3(%arg0: i32) -> (i32, i32) {
    %c0_i32 = arith.constant 0 : i32
    %c0_i32_0 = arith.constant 0 : i32
    return %arg0, %c0_i32 : i32, i32
  }
  func.func @transform_4(%arg0: i32) -> (i32, i32) {
    %c0_i32 = arith.constant 0 : i32
    %c0_i32_0 = arith.constant 0 : i32
    return %arg0, %c0_i32 : i32, i32
  }
}

module attributes {stable_mosaic.version = 14 : i64} {
  func.func @_l2_tc(%arg0: i32, %arg1: memref<2x1024x64xf32, #tpu.memory_space<vmem>>, %arg2: memref<1024x64xf32, #tpu.memory_space<vmem>>, %arg3: memref<1024x1xf32, #tpu.memory_space<vmem>>, %arg4: memref<1x64xf32, #tpu.memory_space<vmem>>, %arg5: memref<64x64xf32, #tpu.memory_space<vmem>>, %arg6: memref<1024x64xf32, #tpu.memory_space<vmem>>) attributes {dimension_semantics = [#tpu.dimension_semantics<arbitrary>], iteration_bounds = array<i64: 10>, scalar_prefetch = 0 : i64, scratch_operands = 0 : i64, tpu.core_type = #tpu.core_type<tc>, window_params = [{transform_indices = @transform_0, window_bounds = array<i64: 2, 1024, 64>}, {transform_indices = @transform_1, window_bounds = array<i64: 1024, 64>}, {transform_indices = @transform_2, window_bounds = array<i64: 1024, 1>}, {pipeline_mode = #tpu.pipeline_mode<synchronous>, transform_indices = @transform_3, window_bounds = array<i64: 1, 64>}, {pipeline_mode = #tpu.pipeline_mode<synchronous>, transform_indices = @transform_4, window_bounds = array<i64: 64, 64>}, {transform_indices = @transform_5, window_bounds = array<i64: 1024, 64>}]} {
    %get3A = arith.constant 0 : index
    %get3A_0 = arith.constant 0 : index
    %get3A_1 = vector.load %arg3[%get3A, %get3A_0] : memref<1024x1xf32, #tpu.memory_space<vmem>>, vector<1024x1xf32>
    %get3A_2 = arith.constant 0 : index
    %get3A_3 = arith.constant 0 : index
    %get3A_4 = arith.constant 0 : index
    %get3A_5 = vector.load %arg1[%get3A_2, %get3A_3, %get3A_4] : memref<2x1024x64xf32, #tpu.memory_space<vmem>>, vector<1x1024x64xf32>
    %get3A_6 = vector.shape_cast %get3A_5 : vector<1x1024x64xf32> to vector<1024x64xf32>
    %get3A_7 = arith.constant 1 : index
    %get3A_8 = arith.constant 0 : index
    %get3A_9 = arith.constant 0 : index
    %get3A_10 = vector.load %arg1[%get3A_7, %get3A_8, %get3A_9] : memref<2x1024x64xf32, #tpu.memory_space<vmem>>, vector<1x1024x64xf32>
    %get3A_11 = vector.shape_cast %get3A_10 : vector<1x1024x64xf32> to vector<1024x64xf32>
    %add3A = arith.addf %get3A_6, %get3A_11 : vector<1024x64xf32>
    %get3A_12 = arith.constant 0 : index
    %get3A_13 = arith.constant 0 : index
    %get3A_14 = vector.load %arg2[%get3A_12, %get3A_13] : memref<1024x64xf32, #tpu.memory_space<vmem>>, vector<1024x64xf32>
    %add3A_15 = arith.addf %add3A, %get3A_14 : vector<1024x64xf32>
    %mul3A = vector.broadcast %get3A_1 : vector<1024x1xf32> to vector<1024x64xf32>
    %mul3A_16 = arith.mulf %add3A_15, %mul3A : vector<1024x64xf32>
    %get3A_17 = arith.constant 0 : index
    %get3A_18 = arith.constant 0 : index
    %get3A_19 = vector.load %arg4[%get3A_17, %get3A_18] : memref<1x64xf32, #tpu.memory_space<vmem>>, vector<1x64xf32>
    %add3A_20 = vector.broadcast %get3A_19 : vector<1x64xf32> to vector<1024x64xf32>
    %add3A_21 = arith.addf %mul3A_16, %add3A_20 : vector<1024x64xf32>
    %max3A = arith.constant 0.000000e+00 : f32
    %max3A_22 = vector.broadcast %max3A : f32 to vector<1024x64xf32>
    %max3A_23 = arith.maximumf %add3A_21, %max3A_22 : vector<1024x64xf32>
    %get3A_24 = arith.constant 0 : index
    %get3A_25 = arith.constant 0 : index
    %get3A_26 = vector.load %arg5[%get3A_24, %get3A_25] : memref<64x64xf32, #tpu.memory_space<vmem>>, vector<64x64xf32>
    %dot_general3A = arith.constant dense<0.000000e+00> : vector<1024x64xf32>
    %dot_general3A_27 = tpu.matmul %max3A_23, %get3A_26, %dot_general3A {dimension_numbers = #tpu.dot_dimension_numbers<[1], [0], [0], [1], [0, 0, 1, 1], [], []>, transpose_lhs_hint = false} : vector<1024x64xf32>, vector<64x64xf32>, vector<1024x64xf32> -> vector<1024x64xf32>
    %mul3A_28 = vector.broadcast %get3A_1 : vector<1024x1xf32> to vector<1024x64xf32>
    %mul3A_29 = arith.mulf %dot_general3A_27, %mul3A_28 : vector<1024x64xf32>
    %iota3A = tpu.iota {dimensions = array<i32: 0>} : vector<1024x64xi32>
    %mul3A_30 = arith.constant 1024 : i32
    %mul3A_31 = arith.muli %arg0, %mul3A_30 : i32
    %add3A_32 = vector.broadcast %mul3A_31 : i32 to vector<1024x64xi32>
    %add3A_33 = arith.addi %iota3A, %add3A_32 : vector<1024x64xi32>
    %lt3A = arith.constant 10000 : i32
    %lt3A_34 = vector.broadcast %lt3A : i32 to vector<1024x64xi32>
    %lt3A_35 = arith.cmpi slt, %add3A_33, %lt3A_34 : vector<1024x64xi32>
    %jit3A = arith.constant 0.000000e+00 : f32
    %broadcast_in_dim3A = vector.broadcast %jit3A : f32 to vector<1024x64xf32>
    %select_n3A = arith.select %lt3A_35, %mul3A_29, %broadcast_in_dim3A : vector<1024x64xi1>, vector<1024x64xf32>
    %swap3A = arith.constant 0 : index
    %swap3A_36 = arith.constant 0 : index
    %swap3A_37 = vector.load %arg6[%swap3A, %swap3A_36] : memref<1024x64xf32, #tpu.memory_space<vmem>>, vector<1024x64xf32>
    tpu.vector_store %arg6[%swap3A, %swap3A_36], %select_n3A {strides = array<i32>} : memref<1024x64xf32, #tpu.memory_space<vmem>>, vector<1024x64xf32>,
    return
  }
  func.func @transform_0(%arg0: i32) -> (i32, i32, i32) {
    %c0_i32 = arith.constant 0 : i32
    %c0_i32_0 = arith.constant 0 : i32
    %c0_i32_1 = arith.constant 0 : i32
    return %c0_i32, %arg0, %c0_i32_0 : i32, i32, i32
  }
  func.func @transform_1(%arg0: i32) -> (i32, i32) {
    %c0_i32 = arith.constant 0 : i32
    %c0_i32_0 = arith.constant 0 : i32
    return %arg0, %c0_i32 : i32, i32
  }
  func.func @transform_2(%arg0: i32) -> (i32, i32) {
    %c0_i32 = arith.constant 0 : i32
    %c0_i32_0 = arith.constant 0 : i32
    return %arg0, %c0_i32 : i32, i32
  }
  func.func @transform_3(%arg0: i32) -> (i32, i32) {
    %c0_i32 = arith.constant 0 : i32
    %c0_i32_0 = arith.constant 0 : i32
    %c0_i32_1 = arith.constant 0 : i32
    return %c0_i32, %c0_i32_0 : i32, i32
  }
  func.func @transform_4(%arg0: i32) -> (i32, i32) {
    %c0_i32 = arith.constant 0 : i32
    %c0_i32_0 = arith.constant 0 : i32
    %c0_i32_1 = arith.constant 0 : i32
    return %c0_i32, %c0_i32_0 : i32, i32
  }
  func.func @transform_5(%arg0: i32) -> (i32, i32) {
    %c0_i32 = arith.constant 0 : i32
    %c0_i32_0 = arith.constant 0 : i32
    return %arg0, %c0_i32 : i32, i32
  }
}

module attributes {stable_mosaic.version = 14 : i64} {
  func.func @_head_tc(%arg0: memref<2x10240x64xf32, #tpu.memory_space<vmem>>, %arg1: memref<10240x64xf32, #tpu.memory_space<vmem>>, %arg2: memref<10240x1xf32, #tpu.memory_space<vmem>>, %arg3: memref<1x64xf32, #tpu.memory_space<vmem>>, %arg4: memref<1x10240xi32, #tpu.memory_space<vmem>>, %arg5: memref<64x489xf32, #tpu.memory_space<vmem>>, %arg6: memref<1x489xf32, #tpu.memory_space<vmem>>, %arg7: memref<64x1943xf32, #tpu.memory_space<vmem>>, %arg8: memref<1x1943xf32, #tpu.memory_space<vmem>>, %arg9: memref<64x320xf32, #tpu.memory_space<vmem>>, %arg10: memref<1x320xf32, #tpu.memory_space<vmem>>, %arg11: memref<32x489xf32, #tpu.memory_space<vmem>>, %arg12: memref<32x1943xf32, #tpu.memory_space<vmem>>, %arg13: memref<32x320xf32, #tpu.memory_space<vmem>>) attributes {dimension_semantics = [], scalar_prefetch = 0 : i64, scratch_operands = 0 : i64, tpu.core_type = #tpu.core_type<tc>} {
    %get3A = arith.constant 0 : index
    %get3A_0 = arith.constant 0 : index
    %get3A_1 = arith.constant 0 : index
    %get3A_2 = vector.load %arg0[%get3A, %get3A_0, %get3A_1] : memref<2x10240x64xf32, #tpu.memory_space<vmem>>, vector<1x10240x64xf32>
    %get3A_3 = vector.shape_cast %get3A_2 : vector<1x10240x64xf32> to vector<10240x64xf32>
    %get3A_4 = arith.constant 1 : index
    %get3A_5 = arith.constant 0 : index
    %get3A_6 = arith.constant 0 : index
    %get3A_7 = vector.load %arg0[%get3A_4, %get3A_5, %get3A_6] : memref<2x10240x64xf32, #tpu.memory_space<vmem>>, vector<1x10240x64xf32>
    %get3A_8 = vector.shape_cast %get3A_7 : vector<1x10240x64xf32> to vector<10240x64xf32>
    %add3A = arith.addf %get3A_3, %get3A_8 : vector<10240x64xf32>
    %get3A_9 = arith.constant 0 : index
    %get3A_10 = arith.constant 0 : index
    %get3A_11 = vector.load %arg1[%get3A_9, %get3A_10] : memref<10240x64xf32, #tpu.memory_space<vmem>>, vector<10240x64xf32>
    %add3A_12 = arith.addf %add3A, %get3A_11 : vector<10240x64xf32>
    %get3A_13 = arith.constant 0 : index
    %get3A_14 = arith.constant 0 : index
    %get3A_15 = vector.load %arg2[%get3A_13, %get3A_14] : memref<10240x1xf32, #tpu.memory_space<vmem>>, vector<10240x1xf32>
    %mul3A = vector.broadcast %get3A_15 : vector<10240x1xf32> to vector<10240x64xf32>
    %mul3A_16 = arith.mulf %add3A_12, %mul3A : vector<10240x64xf32>
    %get3A_17 = arith.constant 0 : index
    %get3A_18 = arith.constant 0 : index
    %get3A_19 = vector.load %arg3[%get3A_17, %get3A_18] : memref<1x64xf32, #tpu.memory_space<vmem>>, vector<1x64xf32>
    %add3A_20 = vector.broadcast %get3A_19 : vector<1x64xf32> to vector<10240x64xf32>
    %add3A_21 = arith.addf %mul3A_16, %add3A_20 : vector<10240x64xf32>
    %max3A = arith.constant 0.000000e+00 : f32
    %max3A_22 = vector.broadcast %max3A : f32 to vector<10240x64xf32>
    %max3A_23 = arith.maximumf %add3A_21, %max3A_22 : vector<10240x64xf32>
    %iota3A = tpu.iota {dimensions = array<i32: 0>} : vector<32x10240xi32>
    %get3A_24 = arith.constant 0 : index
    %get3A_25 = arith.constant 0 : index
    %get3A_26 = vector.load %arg4[%get3A_24, %get3A_25] : memref<1x10240xi32, #tpu.memory_space<vmem>>, vector<1x10240xi32>
    %eq3A = vector.broadcast %get3A_26 : vector<1x10240xi32> to vector<32x10240xi32>
    %eq3A_27 = arith.cmpi eq, %eq3A, %iota3A : vector<32x10240xi32>
    %convert_element_type3A = arith.extui %eq3A_27 : vector<32x10240xi1> to vector<32x10240xi32>
    %convert_element_type3A_28 = arith.sitofp %convert_element_type3A : vector<32x10240xi32> to vector<32x10240xf32>
    %reduce_sum3A = arith.constant dense<0.000000e+00> : vector<32xf32>
    %reduce_sum3A_29 = vector.multi_reduction <add>, %convert_element_type3A_28, %reduce_sum3A [1] : vector<32x10240xf32> to vector<32xf32>
    %broadcast_in_dim3A = vector.shape_cast %reduce_sum3A_29 : vector<32xf32> to vector<32x1xf32>
    %dot_general3A = arith.constant dense<0.000000e+00> : vector<32x64xf32>
    %dot_general3A_30 = tpu.matmul %convert_element_type3A_28, %max3A_23, %dot_general3A {dimension_numbers = #tpu.dot_dimension_numbers<[1], [0], [0], [1], [0, 0, 1, 1], [], []>, transpose_lhs_hint = false} : vector<32x10240xf32>, vector<10240x64xf32>, vector<32x64xf32> -> vector<32x64xf32>
    %max3A_31 = arith.constant 1.000000e+00 : f32
    %max3A_32 = vector.broadcast %max3A_31 : f32 to vector<32x1xf32>
    %max3A_33 = arith.maximumf %broadcast_in_dim3A, %max3A_32 : vector<32x1xf32>
    %div3A = vector.broadcast %max3A_33 : vector<32x1xf32> to vector<32x64xf32>
    %div3A_34 = arith.divf %dot_general3A_30, %div3A : vector<32x64xf32>
    %get3A_35 = arith.constant 0 : index
    %get3A_36 = arith.constant 0 : index
    %get3A_37 = vector.load %arg5[%get3A_35, %get3A_36] : memref<64x489xf32, #tpu.memory_space<vmem>>, vector<64x489xf32>
    %dot_general3A_38 = arith.constant dense<0.000000e+00> : vector<32x489xf32>
    %dot_general3A_39 = tpu.matmul %div3A_34, %get3A_37, %dot_general3A_38 {dimension_numbers = #tpu.dot_dimension_numbers<[1], [0], [0], [1], [0, 0, 1, 1], [], []>, transpose_lhs_hint = false} : vector<32x64xf32>, vector<64x489xf32>, vector<32x489xf32> -> vector<32x489xf32>
    %get3A_40 = arith.constant 0 : index
    %get3A_41 = arith.constant 0 : index
    %get3A_42 = vector.load %arg6[%get3A_40, %get3A_41] : memref<1x489xf32, #tpu.memory_space<vmem>>, vector<1x489xf32>
    %add3A_43 = vector.broadcast %get3A_42 : vector<1x489xf32> to vector<32x489xf32>
    %add3A_44 = arith.addf %dot_general3A_39, %add3A_43 : vector<32x489xf32>
    %swap3A = arith.constant 0 : index
    %swap3A_45 = arith.constant 0 : index
    %swap3A_46 = vector.load %arg11[%swap3A, %swap3A_45] : memref<32x489xf32, #tpu.memory_space<vmem>>, vector<32x489xf32>
    tpu.vector_store %arg11[%swap3A, %swap3A_45], %add3A_44 {strides = array<i32>} : memref<32x489xf32, #tpu.memory_space<vmem>>, vector<32x489xf32>,
    %get3A_47 = arith.constant 0 : index
    %get3A_48 = arith.constant 0 : index
    %get3A_49 = vector.load %arg7[%get3A_47, %get3A_48] : memref<64x1943xf32, #tpu.memory_space<vmem>>, vector<64x1943xf32>
    %dot_general3A_50 = arith.constant dense<0.000000e+00> : vector<32x1943xf32>
    %dot_general3A_51 = tpu.matmul %div3A_34, %get3A_49, %dot_general3A_50 {dimension_numbers = #tpu.dot_dimension_numbers<[1], [0], [0], [1], [0, 0, 1, 1], [], []>, transpose_lhs_hint = false} : vector<32x64xf32>, vector<64x1943xf32>, vector<32x1943xf32> -> vector<32x1943xf32>
    %get3A_52 = arith.constant 0 : index
    %get3A_53 = arith.constant 0 : index
    %get3A_54 = vector.load %arg8[%get3A_52, %get3A_53] : memref<1x1943xf32, #tpu.memory_space<vmem>>, vector<1x1943xf32>
    %add3A_55 = vector.broadcast %get3A_54 : vector<1x1943xf32> to vector<32x1943xf32>
    %add3A_56 = arith.addf %dot_general3A_51, %add3A_55 : vector<32x1943xf32>
    %swap3A_57 = arith.constant 0 : index
    %swap3A_58 = arith.constant 0 : index
    %swap3A_59 = vector.load %arg12[%swap3A_57, %swap3A_58] : memref<32x1943xf32, #tpu.memory_space<vmem>>, vector<32x1943xf32>
    tpu.vector_store %arg12[%swap3A_57, %swap3A_58], %add3A_56 {strides = array<i32>} : memref<32x1943xf32, #tpu.memory_space<vmem>>, vector<32x1943xf32>,
    %get3A_60 = arith.constant 0 : index
    %get3A_61 = arith.constant 0 : index
    %get3A_62 = vector.load %arg9[%get3A_60, %get3A_61] : memref<64x320xf32, #tpu.memory_space<vmem>>, vector<64x320xf32>
    %dot_general3A_63 = arith.constant dense<0.000000e+00> : vector<32x320xf32>
    %dot_general3A_64 = tpu.matmul %div3A_34, %get3A_62, %dot_general3A_63 {dimension_numbers = #tpu.dot_dimension_numbers<[1], [0], [0], [1], [0, 0, 1, 1], [], []>, transpose_lhs_hint = false} : vector<32x64xf32>, vector<64x320xf32>, vector<32x320xf32> -> vector<32x320xf32>
    %get3A_65 = arith.constant 0 : index
    %get3A_66 = arith.constant 0 : index
    %get3A_67 = vector.load %arg10[%get3A_65, %get3A_66] : memref<1x320xf32, #tpu.memory_space<vmem>>, vector<1x320xf32>
    %add3A_68 = vector.broadcast %get3A_67 : vector<1x320xf32> to vector<32x320xf32>
    %add3A_69 = arith.addf %dot_general3A_64, %add3A_68 : vector<32x320xf32>
    %swap3A_70 = arith.constant 0 : index
    %swap3A_71 = arith.constant 0 : index
    %swap3A_72 = vector.load %arg13[%swap3A_70, %swap3A_71] : memref<32x320xf32, #tpu.memory_space<vmem>>, vector<32x320xf32>
    tpu.vector_store %arg13[%swap3A_70, %swap3A_71], %add3A_69 {strides = array<i32>} : memref<32x320xf32, #tpu.memory_space<vmem>>, vector<32x320xf32>,
    return
  }
}

</mosaic_0001>

<sc_bundles>
// kernel: kernel.11.cloned.1.call-start
scs
__scs_entry_jumppad:
0x0: {  	(pc) =	sbr.rel $0x88, $3  }
0x1: {  	(tag) =	ssettag $0x0;
	lr =	simm.s32 $0x1  }
0x2: {  	[smem:$0x3F94] =	sst lr;
	_ =	strace $0xD0000000  }
0x3: {  	_ = 	snop  }
0x4: {  	_ = 	snop  }
0x5: {  	_ = 	snop  }
0x6: {  	_ = 	snop  }
0x7: {  	_ = 	snop  }
__scs_overlays_trampoline_lowered:
0x8: {  	[smem:$0x3FA3] =	sst s0  }
0x9: {  	[smem:$0x3FA4] =	sst s1  }
0xa: {  	[smem:$0x3FA5] =	sst s2  }
0xb: {  	[smem:$0x3FA6] =	sst s3  }
0xc: {  	[smem:$0x3FA7] =	sst s4  }
0xd: {  	[smem:$0x3FA8] =	sst s5  }
0xe: {  	[smem:$0x3FA9] =	sst s6  }
0xf: {  	[smem:$0x3FAA] =	sst s7  }
0x10: {  	[smem:$0x3FAB] =	sst s8  }
0x11: {  	[smem:$0x3FAC] =	sst s9;
	s0 =	simm.s32 @!p0 $0x0  }
0x12: {  	s1 =	sld [smem:$0x3F92];
	s0 =	simm.s32 @p0 $0x1  }
0x13: {  	[smem:$0x3FAD] =	sst s0;
	s0 =	simm.s32 @!p1 $0x0  }
0x14: {  	s2 =	sld [smem:$0x3F91];
	s0 =	simm.s32 @p1 $0x1  }
0x15: {  	[smem:$0x3FAE] =	sst s0;
	s0 =	simm.s32 @!p2 $0x0  }
0x16: {  	s3 =	sld [smem:$0x3FDB];
	s0 =	simm.s32 @p2 $0x1  }
0x17: {  	s4 =	simm.s32 $0x1BF5;
	[smem:$0x3FB0] =	sst s0  }
0x18: {  	s0 =	sld [smem:$0x3F93];
	_ =	swait.ge [sflag:s4], $0x0  }
0x19: {  	s7 =	sld [smem:$0x3F94]  }
0x1a: {  	s8 =	sadd.s32 $0xFFFFE003, lr  }
0x1b: {  	s9 =	sadd.s32 $0xFFFFFEF7, lr;
	s5 =	simm.s32 $0xFFFFFFFF;
	p2 =	slt.u32 s8, $0xFFFFF086  }
0x1c: {  	p1 =	slt.u32 s9, $0xF7A;
	s5 =	simm.s32 @!p2 $0x0  }
0x1d: {  	s5 =	simm.s32 @p1 $0x1;
	p0 =	seq.s32 s7, s2  }
0x1e: {  	s7 =	smul.u32 @!p0 $0xF7A, s2;
	p2 =	seq.s32 @!p0 s5, $0x0  }
0x1f: {  	s9 =	smul.u32 $0xF7A, s1;
	s8 =	simm.s32 @!p0 $0x1BF5;
	p2 =	por !p2, p0  }
0x20: {  	[sflag:s8] =	ssyncset.s32 @!p0 $0xFFFFF086;
	s6 =	sadd.s32 @!p0 s3, s7;
	s7 =	simm.s32 @!p0 $0x108  }
0x21: {  	s3 =	sadd.s32 s3, s9;
	s6 =	sadd.s32 @!p0 $0x88, s6;
	s7 =	simm.s32 @p2 $0x1082  }
0x22: {  	[simem:s7], [sflag:s8] =	dma.local @!p0 [hbm:s6], $0xF7A  }
0x23: {  	s9 =	sor.u32 $0xD0000000, s2;
	s6 =	simm.s32 $0x108;
	_ =	swait.ge @!p0 [sflag:s8], $0x0  }
0x24: {  	s3 =	sadd.s32 $0x88, s3;
	s6 =	simm.s32 @!p1 $0x1082;
	[sflag:s4] =	ssyncset.s32 $0xFFFFF086  }
0x25: {  	[simem:s6], [sflag:s4] =	dma.local [hbm:s3], $0xF7A  }
0x26: {  	[smem:$0x3F94] =	sst s1;
	(tag) =	ssettag s2;
	_ =	strace s9  }
0x27: {  	s1 =	sld [smem:$0x3FA4]  }
0x28: {  	s2 =	sld [smem:$0x3FA5]  }
0x29: {  	s4 =	sld [smem:$0x3FA7]  }
0x2a: {  	p0 =	seq.s32 s5, $0x0;
	s5 =	sld [smem:$0x3FA8]  }
0x2b: {  	s6 =	sld [smem:$0x3FA9]  }
0x2c: {  	s7 =	sld [smem:$0x3FAA]  }
0x2d: {  	s3 =	simm.s32 $0x108;
	s8 =	sld [smem:$0x3FAB]  }
0x2e: {  	s3 =	simm.s32 @!p0 $0x1082;
	s9 =	sld [smem:$0x3FAC]  }
0x2f: {  	lr =	sadd.s32 s0, s3;
	s0 =	sld [smem:$0x3FA3]  }
0x30: {  	s3 =	sld [smem:$0x3FA6]  }
0x31: {  	[smem:$0x3FAF] =	sst s10  }
0x32: {  	s10 =	sld [smem:$0x3FAD];
	_ =	sdelay $0x3  }
0x33: {  	p0 =	seq.s32 s10, $0x1;
	s10 =	sld [smem:$0x3FAF];
	_ =	sdelay $0x3  }
0x34: {  	[smem:$0x3FAF] =	sst s10  }
0x35: {  	s10 =	sld [smem:$0x3FAE];
	_ =	sdelay $0x3  }
0x36: {  	p1 =	seq.s32 s10, $0x1;
	s10 =	sld [smem:$0x3FAF];
	_ =	sdelay $0x3  }
0x37: {  	[smem:$0x3FAF] =	sst s10  }
0x38: {  	s10 =	sld [smem:$0x3FB0]  }
0x39: {  	_ = 	snop;
	(pc) =	sbr.ind lr, $3  }
0x3a: {  	_ = 	snop  }
0x3b: {  	_ = 	snop  }
0x3c: {  	p2 =	seq.s32 s10, $0x1;
	s10 =	sld [smem:$0x3FAF]  }
0x3d: {  	_ =	shalt  }
0x3e: {  	_ =	shalt  }
0x3f: {  	_ =	shalt  }
0x40: {  	_ =	shalt  }
0x41: {  	_ =	shalt  }
0x42: {  	_ =	shalt  }
0x43: {  	_ =	shalt  }
0x44: {  	_ =	shalt  }
0x45: {  	_ =	shalt  }
0x46: {  	_ =	shalt  }
0x47: {  	_ =	shalt  }
0x48: {  	_ =	shalt  }
0x49: {  	_ =	shalt  }
0x4a: {  	_ =	shalt  }
0x4b: {  	_ =	shalt  }
0x4c: {  	_ =	shalt  }
0x4d: {  	_ =	shalt  }
0x4e: {  	_ =	shalt  }
0x4f: {  	_ =	shalt  }
0x50: {  	_ =	shalt  }
0x51: {  	_ =	shalt  }
0x52: {  	_ =	shalt  }
0x53: {  	_ =	shalt  }
0x54: {  	_ =	shalt  }
0x55: {  	_ =	shalt  }
0x56: {  	_ =	shalt  }
0x57: {  	_ =	shalt  }
0x58: {  	_ =	shalt  }
0x59: {  	_ =	shalt  }
0x5a: {  	_ =	shalt  }
0x5b: {  	_ =	shalt  }
0x5c: {  	_ =	shalt  }
0x5d: {  	_ =	shalt  }
0x5e: {  	_ =	shalt  }
0x5f: {  	_ =	shalt  }
0x60: {  	_ =	shalt  }
0x61: {  	_ =	shalt  }
0x62: {  	_ =	shalt  }
0x63: {  	_ =	shalt  }
0x64: {  	_ =	shalt  }
0x65: {  	_ =	shalt  }
0x66: {  	_ =	shalt  }
0x67: {  	_ =	shalt  }
0x68: {  	_ =	shalt  }
0x69: {  	_ =	shalt  }
0x6a: {  	_ =	shalt  }
0x6b: {  	_ =	shalt  }
0x6c: {  	_ =	shalt  }
0x6d: {  	_ =	shalt  }
0x6e: {  	_ =	shalt  }
0x6f: {  	_ =	shalt  }
0x70: {  	_ =	shalt  }
0x71: {  	_ =	shalt  }
0x72: {  	_ =	shalt  }
0x73: {  	_ =	shalt  }
0x74: {  	_ =	shalt  }
0x75: {  	_ =	shalt  }
0x76: {  	_ =	shalt  }
0x77: {  	_ =	shalt  }
0x78: {  	_ =	shalt  }
0x79: {  	_ =	shalt  }
0x7a: {  	_ =	shalt  }
0x7b: {  	_ =	shalt  }
0x7c: {  	_ =	shalt  }
0x7d: {  	_ =	shalt  }
0x7e: {  	_ =	shalt  }
0x7f: {  	_ =	shalt  }
0x80: {  	_ =	shalt  }
0x81: {  	_ =	shalt  }
0x82: {  	_ =	shalt  }
0x83: {  	_ =	shalt  }
0x84: {  	_ =	shalt  }
0x85: {  	_ =	shalt  }
0x86: {  	_ =	shalt  }
0x87: {  	_ =	shalt  }
.Lfunc_end0:
.L_simem_size_0:
called_computation.1_lowered:
.L_overlay_start_0:
0x88: {  	s2 =	sld [smem:$0x3FD9]  }
0x89: {  	s3 =	sld [smem:$0x3FFE];
	_ =	sdelay $0x1  }
0x8a: {  	s1 =	srdreg.scid  }
0x8b: {  	s0 =	sand.u32 $0x1, s1  }
0x8c: {  	s14 =	sshll.u32 s0, $0xA;
	s2 =	sadd.s32 s3, s2  }
0x8d: {  	s2 =	sadd.s32 s2, s14  }
0x8e: {  	[smem:$0x3FBB] =	sst s2  }
0x8f: {  	_ = 	snop  }
0x90: {  	s2 =	sld [smem:$0x3FD0];
	_ =	sdelay $0x2  }
0x91: {  	s15 =	simm.s32 $0xA;
	s4 =	simm.s32 $0x10  }
0x92: {  	[smem:s4], [sflag:s15] =	dma.local [hbm:s2], $0x1  }
0x93: {  	_ =	swait.eq [sflag:s15], $0x1  }
0x94: {  	[sflag:s15] =	ssyncset.done $0x0  }
0x95: {  	[sflag:s15] =	ssyncadd.s32 $0xFFFFFFFF  }
0x96: {  	s16 =	sld [smem:$0x11];
	(tm) =	ssettm $0x1  }
0x97: {  	s17 =	sld [smem:$0x3FFB];
	_ =	sdelay $0x3  }
0x98: {  	_ =	strace s17  }
0x99: {  	s3 =	sld [smem:$0x3FFC];
	_ =	sdelay $0x3  }
0x9a: {  	_ =	strace s3  }
0x9b: {  	s3 =	sld [smem:$0x3FFD];
	_ =	sdelay $0x3  }
0x9c: {  	_ =	strace s3  }
0x9d: {  	_ =	strace $0x8FFFFFFF  }
0x9e: {  	s18 =	sld [smem:$0x3FDB];
	_ =	sdelay $0x1  }
0x9f: {  	s19 =	simm.s32 $_scs_section_size  }
0xa0: {  	s5 =	simm.s32 $_size__tile_overlayer_lowered;
	s6 =	simm.s32 $_tile_overlayer_lowered  }
0xa1: {  	s22 =	simm.s32 $0x1BFF;
	s21 =	sshll.u32 s6, $0x1;
	s3 =	sadd.s32 s19, s18  }
0xa2: {  	s7 =	simm.s32 $0x0;
	s20 =	sshll.u32 s5, $0x1;
	s5 =	sadd.s32 s21, s3  }
0xa3: {  	[timem:s7], [sflag:s22] =	dma.local [hbm:s5], s20  }
0xa4: {  	_ =	swait.ge [sflag:s22], s20  }
0xa5: {  	s4 =	ssub.s32 $0x0, s20;
	[sflag:s22] =	ssyncset.done $0x0  }
0xa6: {  	[sflag:s22] =	ssyncadd.s32 s4;
	_ =	sdelay $0x1  }
0xa7: {  	s23 =	simm.s32 $0x1B8B  }
0xa8: {  	_ =	swait.ge [sflag:s23], $0x1  }
0xa9: {  	[sflag:s23] =	ssyncset.done $0x0  }
0xaa: {  	s25 =	simm.s32 $0x1B8E;
	s24 =	sld [smem:$0x3FFE];
	[sflag:s23] =	ssyncadd.s32 $0xFFFFFFFF  }
0xab: {  	s26 =	simm.s32 $execute0_lowered;
	[smem:$0x3FD2] =	sst s25  }
0xac: {  	s5 =	sshll.u32 s26, $0x1;
	_ =	strace $0x80000049;
	[dreg:$0x1] =	wrdreg $0xFFFFFFFF  }
0xad: {  	s28 =	simm.s32 $_size_execute0_lowered;
	s3 =	sadd.s32 s3, s5;
	[dreg:$0x0] =	wrdreg $0x0  }
0xae: {  	s5 =	sshll.u32 s28, $0x1;
	[dreg:$0x2] =	wrdreg s3  }
0xaf: {  	[dreg:$0x3] =	wrdreg s5  }
0xb0: {  	[dreg:$0x4] =	wrdreg $0xC0  }
0xb1: {  	_ =	task [dreg:s7], $0x5FFFF  }
0xb2: {  	[dreg:$0x1] =	wrdreg $0xFFFFFFFF  }
0xb3: {  	[dreg:$0x0] =	wrdreg $0x60  }
0xb4: {  	[dreg:$0x2] =	wrdreg s24  }
0xb5: {  	[dreg:$0x3] =	wrdreg s16  }
0xb6: {  	[dreg:$0x4] =	wrdreg $0x0  }
0xb7: {  	[dreg:$0x5] =	wrdreg $0x9  }
0xb8: {  	_ =	task.clear_ibuf [dreg:s7], $0x6FFFF;
	_ =	strace $0x90000049  }
0xb9: {  	s29 =	simm.s32 $0x9;
	_ =	strace $0x8000004B  }
0xba: {  	_ =	swait.ge [sflag:s29], $0x1  }
0xbb: {  	[sflag:s29] =	ssyncadd.s32 $0xFFFFFFFF  }
0xbc: {  	_ =	strace $0x9000004B  }
0xbd: {  	_ =	sfence  }
0xbe: {  	s30 =	sld [smem:$0x0];
	_ =	sdelay $0x2  }
0xbf: {  	s31 =	sshll.u32 s1, $0xD;
	s1 =	sshrl.u32 s1, $0x2  }
0xc0: {  	s3 =	sand.u32 $0x4000, s31;
	s1 =	sadd.s32 s1, s30  }
0xc1: {  	s0 =	sor.u32 s3, s0;
	s1 =	sshll.u32 s1, $0x11  }
0xc2: {  	s0 =	sor.u32 s1, s0  }
0xc3: {  	s0 =	sadd.s32 $0x8F2B, s0  }
0xc4: {  	[sflag:s0] =	ssyncadd.remote.s32 $0x1  }
0xc5: {  	_ =	sfence.sel $0xFFFF  }
0xc6: {  	[dreg:$0x0] =	wrdreg $0xFFFFFFFF;
	(pc) =	sbr.abs _section_cstart, $3  }
0xc7: {  	[dreg:$0x1] =	wrdreg $0xFFFFFFFF  }
0xc8: {  	_ =	task.clear_ibuf [dreg:s7], $0x2FFFF;
	_ =	strace $0x9FFFFFFF  }
0xc9: {  	(tm) =	ssettm $0x7FFFFFFF  }
tec
execute0_lowered:
.L_overlay_start_1:
0x0: {  	(tag) =	ssettag $0x1  }
0x1: {  	s6 =	rddreg [dreg:$0x0]  }
0x2: {  	s2 =	rddreg [dreg:$0x1]  }
0x3: {  	s0 =	srdreg.scid;
	s3 =	rddreg [dreg:$0x2]  }
0x4: {  	s1 =	rddreg [dreg:$0x3];
	s7 =	sand.u32 $0x1, s0  }
0x5: {  	s4 =	simm.s32 $0x0;
	s0 =	stileid.u32;
	s5 =	smul.u32 $0x28000, s7  }
0x6: {  	s14 =	simm.s32 $0xA080;
	s15 =	simm.s32 $0x80;
	s8 =	smul.u32 $0x2800, s0  }
0x7: {  	s16 =	simm.s32 $0xA100;
	s17 =	simm.s32 $0x1;
	s9 =	smul.u32 $0xA000, s0  }
0x8: {  	s18 =	simm.s32 $0x0;
	[smem:$0x7FF] =	sst s4;
	s10 =	smul.u32 $0xA0000, s7  }
0x9: {  	_ =	strace $0x8000004A;
	s7 =	ssub.s32 $0x2, s7;
	s31 =	sshll.u32 s0, $0x6  }
0xa: {  	s30 =	sshrl.u32 s7, $0x1;
	s8 =	sadd.s32 s8, s5;
	s10 =	sadd.s32 s9, s10  }
0xb: {  	s5 =	sadd.s32 $0x16000, s6;
	s8 =	sshrl.u32 s8, $0x3;
	s29 =	sshrl.u32 s10, $0x3  }
0xc: {  	s12 =	ssub.s32 s7, s30;
	s11 =	sadd.s32 s8, s6;
	s8 =	sadd.s32 s29, s6  }
0xd: {  	s13 =	sadd.s32 s9, s3;
	s6 =	sor.u32 $0x1C02, s31;
	s7 =	sadd.s32 $0x2A000, s8  }
0xe: {  	s8 =	smax.u32 s12, $0x1;
	s9 =	sadd.s32 $0x2000, s11;
	s10 =	sadd.s32 $0xC000, s11  }
0xf: {  	s11 =	sshrl.u32 s13, $0x3;
	s12 =	simm.s32 $0x2;
	s13 =	simm.s32 $0xA000  }
.LBB2_1:
0x10: {  	[spmem:s11], [sflag:s6] =	dma.local [hbm:s2], $0x1400  }
0x11: {  	_ =	swait.ge [sflag:s12], $0x1400  }
0x12: {  	[sflag:s12] =	ssyncset.done $0x0  }
0x13: {  	[sflag:s12] =	ssyncadd.s32 $0xFFFFEC00  }
0x14: {  	s19 =	sadd.s32 $0x0, s10;
	[bflag:$0x0] =	sbarrier.arrive $0xFFFF  }
0x15: {  	[tilespmem:s13], [sflag:$0x2] =	stream.linear.gather [hbm4b:s19+s4], $0x80, $0x38;
	[tilespmem:$0xC100] =	vst v63  }
0x16: {  	_ =	swait.ge [sflag:s12], $0x80  }
0x17: {  	[sflag:s12] =	ssyncset.done $0x0  }
0x18: {  	s31 =	sadd.s32 $0x0, s9;
	[sflag:s12] =	ssyncadd.s32 $0xFFFFFF80  }
0x19: {  	[tilespmem:s14], [sflag:$0x2] =	stream.linear.gather [hbm4b:s31+s4], $0x80, $0x38;
	[tilespmem:$0xC100] =	vst v63  }
0x1a: {  	_ =	swait.ge [sflag:s12], $0x80  }
0x1b: {  	[sflag:s12] =	ssyncset.done $0x0  }
0x1c: {  	[sflag:s12] =	ssyncadd.s32 $0xFFFFFF80  }
0x1d: {  	[tilespmem:s16], [sflag:$0x1] =	stream.indirect.gather [hbm4b:s5+s15], $0x40, s13, s15, $0xb8;
	[tilespmem:$0xC100] =	vst v63  }
0x1e: {  	_ =	swait.ge [sflag:s17], $0x2000  }
0x1f: {  	[sflag:s17] =	ssyncset.done $0x0  }
0x20: {  	[sflag:s17] =	ssyncadd.s32 $0xFFFFE000  }
0x21: {  	[spmem:s3] =	stream.indirect.scatter.add.f32 [tilespmem:s16], [sflag:$0x2], $0x40, s14, s15, $0xb8;
	[tilespmem:$0xC100] =	vst v63  }
0x22: {  	_ =	swait.ge [sflag:s12], $0x2000  }
0x23: {  	s20 =	simm.s32 $0x20;
	s19 =	simm.s32 $0x10;
	[sflag:s12] =	ssyncset.done $0x0  }
.LBB2_2:
0x24: {  	s21 =	sadd.s32 s19, s10  }
0x25: {  	[sflag:s12] =	ssyncadd.s32 $0xFFFFE000;
	s22 =	smov.u32 s20;
	s23 =	sadd.s32 $0x10, s20  }
0x26: {  	[tilespmem:s13], [sflag:$0x2] =	stream.linear.gather [hbm4b:s21+s4], $0x80, $0x38;
	[tilespmem:$0xC100] =	vst v63  }
0x27: {  	p0 =	sne.s32 s20, $0x4F0;
	_ =	swait.ge [sflag:s12], $0x80  }
0x28: {  	[sflag:s12] =	ssyncset.done $0x0  }
0x29: {  	s20 =	sadd.s32 s19, s9;
	s19 =	smov.u32 s22;
	[sflag:s12] =	ssyncadd.s32 $0xFFFFFF80  }
0x2a: {  	[tilespmem:s14], [sflag:$0x2] =	stream.linear.gather [hbm4b:s20+s4], $0x80, $0x38;
	[tilespmem:$0xC100] =	vst v63  }
0x2b: {  	_ =	swait.ge [sflag:s12], $0x80  }
0x2c: {  	[sflag:s12] =	ssyncset.done $0x0  }
0x2d: {  	[sflag:s12] =	ssyncadd.s32 $0xFFFFFF80  }
0x2e: {  	[tilespmem:s16], [sflag:$0x1] =	stream.indirect.gather [hbm4b:s5+s15], $0x40, s13, s15, $0xb8;
	[tilespmem:$0xC100] =	vst v63  }
0x2f: {  	_ =	swait.ge [sflag:s17], $0x2000  }
.Ltmp0:
0x30: {  	[sflag:s17] =	ssyncset.done $0x0;
	(pc) =	sbr.rel @p0 .LBB2_2-.Ltmp0, $4  }
0x31: {  	[sflag:s17] =	ssyncadd.s32 $0xFFFFE000  }
0x32: {  	[spmem:s3] =	stream.indirect.scatter.add.f32 [tilespmem:s16], [sflag:$0x2], $0x40, s14, s15, $0xb8;
	[tilespmem:$0xC100] =	vst v63  }
0x33: {  	_ =	swait.ge [sflag:s12], $0x2000  }
0x34: {  	s20 =	smov.u32 s23;
	[sflag:s12] =	ssyncset.done $0x0  }
0x35: {  	s20 =	sadd.s32 s19, s10;
	[sflag:s12] =	ssyncadd.s32 $0xFFFFE000  }
0x36: {  	[tilespmem:s13], [sflag:$0x2] =	stream.linear.gather [hbm4b:s20+s4], $0x80, $0x38;
	[tilespmem:$0xC100] =	vst v63  }
0x37: {  	_ =	swait.ge [sflag:s12], $0x80  }
0x38: {  	[sflag:s12] =	ssyncset.done $0x0  }
0x39: {  	s31 =	sadd.s32 s19, s9;
	[sflag:s12] =	ssyncadd.s32 $0xFFFFFF80  }
0x3a: {  	[tilespmem:s14], [sflag:$0x2] =	stream.linear.gather [hbm4b:s31+s4], $0x80, $0x38;
	[tilespmem:$0xC100] =	vst v63  }
0x3b: {  	_ =	swait.ge [sflag:s12], $0x80  }
0x3c: {  	[sflag:s12] =	ssyncset.done $0x0  }
0x3d: {  	[sflag:s12] =	ssyncadd.s32 $0xFFFFFF80  }
0x3e: {  	[tilespmem:s16], [sflag:$0x1] =	stream.indirect.gather [hbm4b:s5+s15], $0x40, s13, s15, $0xb8;
	[tilespmem:$0xC100] =	vst v63  }
0x3f: {  	_ =	swait.ge [sflag:s17], $0x2000  }
0x40: {  	[sflag:s17] =	ssyncset.done $0x0  }
0x41: {  	[sflag:s17] =	ssyncadd.s32 $0xFFFFE000  }
0x42: {  	[spmem:s3] =	stream.indirect.scatter.add.f32 [tilespmem:s16], [sflag:$0x2], $0x40, s14, s15, $0xb8;
	[tilespmem:$0xC100] =	vst v63  }
0x43: {  	_ =	swait.ge [sflag:s12], $0x2000  }
0x44: {  	s18 =	sadd.s32 $0x1, s18;
	[sflag:s12] =	ssyncset.done $0x0  }
0x45: {  	p0 =	sne.s32 s18, s8;
	[sflag:s12] =	ssyncadd.s32 $0xFFFFE000  }
.Ltmp1:
0x46: {  	[bflag:$0x0] =	sbarrier.arrive $0xFFFF;
	(pc) =	sbr.rel @p0 .LBB2_1-.Ltmp1, $4  }
0x47: {  	[hbm:s7], [sflag:s6] =	dma.local [spmem:s11], $0x1400  }
0x48: {  	_ =	swait.ge [sflag:s12], $0x1400  }
0x49: {  	[sflag:s12] =	ssyncset.done $0x0  }
0x4a: {  	[sflag:s12] =	ssyncadd.s32 $0xFFFFEC00  }
0x4b: {  	_ =	sfence.sel $0x180000  }
0x4c: {  	[bflag:$0x0] =	sbarrier.arrive $0xFFFF  }
0x4d: {  	p0 =	sne.s32 s0, $0x0;
	_ =	strace $0x9000004A  }
0x4e: {  	s0 =	sadd.s32 @!p0 $0x100000, s1;
	[bflag:$0x2] =	sbarrier.arrive $0xFFFF  }
0x4f: {  	[sflag:s0] =	ssyncadd.tile.s32 @!p0 $0x1;
	_ =	shalt  }
.Lfunc_end2:
_tile_overlayer_lowered:
.L_overlay_start_2:
0x50: {  	(tag) =	ssettag $0x2  }
0x51: {  	s0 =	rddreg [dreg:$0x0];
	s2 =	stileid.u32  }
0x52: {  	s1 =	rddreg [dreg:$0x1];
	p0 =	sne.s32 s2, $0x0  }
0x53: {  	s3 =	rddreg [dreg:$0x2];
	[bflag:$0x3] =	sbarrier.arrive $0xFFFF;
	s2 =	simm.s32 @!p0 $0x1C02  }
0x54: {  	[timem:s3], [sflag:s2] =	dma.local @!p0 [hbm:s0], s1  }
0x55: {  	s0 =	simm.s32 @!p0 $0x2  }
0x56: {  	_ =	swait.ge @!p0 [sflag:s0], s1  }
0x57: {  	s1 =	ssub.s32 @!p0 $0x0, s1;
	[sflag:s0] =	ssyncset.done @!p0 $0x0  }
0x58: {  	[sflag:s0] =	ssyncadd.s32 @!p0 s1  }
0x59: {  	[bflag:$0x3] =	sbarrier.arrive $0xFFFF  }
0x5a: {  	_ =	shalt  }

// kernel: kernel.14.cloned.1.call-start
scs
__scs_entry_jumppad:
0x0: {  	(pc) =	sbr.rel $0x88, $3  }
0x1: {  	(tag) =	ssettag $0x0;
	lr =	simm.s32 $0x1  }
0x2: {  	[smem:$0x3F94] =	sst lr;
	_ =	strace $0xD0000000  }
0x3: {  	_ = 	snop  }
0x4: {  	_ = 	snop  }
0x5: {  	_ = 	snop  }
0x6: {  	_ = 	snop  }
0x7: {  	_ = 	snop  }
__scs_overlays_trampoline_lowered:
0x8: {  	[smem:$0x3FA3] =	sst s0  }
0x9: {  	[smem:$0x3FA4] =	sst s1  }
0xa: {  	[smem:$0x3FA5] =	sst s2  }
0xb: {  	[smem:$0x3FA6] =	sst s3  }
0xc: {  	[smem:$0x3FA7] =	sst s4  }
0xd: {  	[smem:$0x3FA8] =	sst s5  }
0xe: {  	[smem:$0x3FA9] =	sst s6  }
0xf: {  	[smem:$0x3FAA] =	sst s7  }
0x10: {  	[smem:$0x3FAB] =	sst s8  }
0x11: {  	[smem:$0x3FAC] =	sst s9;
	s0 =	simm.s32 @!p0 $0x0  }
0x12: {  	s1 =	sld [smem:$0x3F92];
	s0 =	simm.s32 @p0 $0x1  }
0x13: {  	[smem:$0x3FAD] =	sst s0;
	s0 =	simm.s32 @!p1 $0x0  }
0x14: {  	s2 =	sld [smem:$0x3F91];
	s0 =	simm.s32 @p1 $0x1  }
0x15: {  	[smem:$0x3FAE] =	sst s0;
	s0 =	simm.s32 @!p2 $0x0  }
0x16: {  	s3 =	sld [smem:$0x3FDB];
	s0 =	simm.s32 @p2 $0x1  }
0x17: {  	s4 =	simm.s32 $0x1BF5;
	[smem:$0x3FB0] =	sst s0  }
0x18: {  	s0 =	sld [smem:$0x3F93];
	_ =	swait.ge [sflag:s4], $0x0  }
0x19: {  	s7 =	sld [smem:$0x3F94]  }
0x1a: {  	s8 =	sadd.s32 $0xFFFFE003, lr  }
0x1b: {  	s9 =	sadd.s32 $0xFFFFFEF7, lr;
	s5 =	simm.s32 $0xFFFFFFFF;
	p2 =	slt.u32 s8, $0xFFFFF086  }
0x1c: {  	p1 =	slt.u32 s9, $0xF7A;
	s5 =	simm.s32 @!p2 $0x0  }
0x1d: {  	s5 =	simm.s32 @p1 $0x1;
	p0 =	seq.s32 s7, s2  }
0x1e: {  	s7 =	smul.u32 @!p0 $0xF7A, s2;
	p2 =	seq.s32 @!p0 s5, $0x0  }
0x1f: {  	s9 =	smul.u32 $0xF7A, s1;
	s8 =	simm.s32 @!p0 $0x1BF5;
	p2 =	por !p2, p0  }
0x20: {  	[sflag:s8] =	ssyncset.s32 @!p0 $0xFFFFF086;
	s6 =	sadd.s32 @!p0 s3, s7;
	s7 =	simm.s32 @!p0 $0x108  }
0x21: {  	s3 =	sadd.s32 s3, s9;
	s6 =	sadd.s32 @!p0 $0x88, s6;
	s7 =	simm.s32 @p2 $0x1082  }
0x22: {  	[simem:s7], [sflag:s8] =	dma.local @!p0 [hbm:s6], $0xF7A  }
0x23: {  	s9 =	sor.u32 $0xD0000000, s2;
	s6 =	simm.s32 $0x108;
	_ =	swait.ge @!p0 [sflag:s8], $0x0  }
0x24: {  	s3 =	sadd.s32 $0x88, s3;
	s6 =	simm.s32 @!p1 $0x1082;
	[sflag:s4] =	ssyncset.s32 $0xFFFFF086  }
0x25: {  	[simem:s6], [sflag:s4] =	dma.local [hbm:s3], $0xF7A  }
0x26: {  	[smem:$0x3F94] =	sst s1;
	(tag) =	ssettag s2;
	_ =	strace s9  }
0x27: {  	s1 =	sld [smem:$0x3FA4]  }
0x28: {  	s2 =	sld [smem:$0x3FA5]  }
0x29: {  	s4 =	sld [smem:$0x3FA7]  }
0x2a: {  	p0 =	seq.s32 s5, $0x0;
	s5 =	sld [smem:$0x3FA8]  }
0x2b: {  	s6 =	sld [smem:$0x3FA9]  }
0x2c: {  	s7 =	sld [smem:$0x3FAA]  }
0x2d: {  	s3 =	simm.s32 $0x108;
	s8 =	sld [smem:$0x3FAB]  }
0x2e: {  	s3 =	simm.s32 @!p0 $0x1082;
	s9 =	sld [smem:$0x3FAC]  }
0x2f: {  	lr =	sadd.s32 s0, s3;
	s0 =	sld [smem:$0x3FA3]  }
0x30: {  	s3 =	sld [smem:$0x3FA6]  }
0x31: {  	[smem:$0x3FAF] =	sst s10  }
0x32: {  	s10 =	sld [smem:$0x3FAD];
	_ =	sdelay $0x3  }
0x33: {  	p0 =	seq.s32 s10, $0x1;
	s10 =	sld [smem:$0x3FAF];
	_ =	sdelay $0x3  }
0x34: {  	[smem:$0x3FAF] =	sst s10  }
0x35: {  	s10 =	sld [smem:$0x3FAE];
	_ =	sdelay $0x3  }
0x36: {  	p1 =	seq.s32 s10, $0x1;
	s10 =	sld [smem:$0x3FAF];
	_ =	sdelay $0x3  }
0x37: {  	[smem:$0x3FAF] =	sst s10  }
0x38: {  	s10 =	sld [smem:$0x3FB0]  }
0x39: {  	_ = 	snop;
	(pc) =	sbr.ind lr, $3  }
0x3a: {  	_ = 	snop  }
0x3b: {  	_ = 	snop  }
0x3c: {  	p2 =	seq.s32 s10, $0x1;
	s10 =	sld [smem:$0x3FAF]  }
0x3d: {  	_ =	shalt  }
0x3e: {  	_ =	shalt  }
0x3f: {  	_ =	shalt  }
0x40: {  	_ =	shalt  }
0x41: {  	_ =	shalt  }
0x42: {  	_ =	shalt  }
0x43: {  	_ =	shalt  }
0x44: {  	_ =	shalt  }
0x45: {  	_ =	shalt  }
0x46: {  	_ =	shalt  }
0x47: {  	_ =	shalt  }
0x48: {  	_ =	shalt  }
0x49: {  	_ =	shalt  }
0x4a: {  	_ =	shalt  }
0x4b: {  	_ =	shalt  }
0x4c: {  	_ =	shalt  }
0x4d: {  	_ =	shalt  }
0x4e: {  	_ =	shalt  }
0x4f: {  	_ =	shalt  }
0x50: {  	_ =	shalt  }
0x51: {  	_ =	shalt  }
0x52: {  	_ =	shalt  }
0x53: {  	_ =	shalt  }
0x54: {  	_ =	shalt  }
0x55: {  	_ =	shalt  }
0x56: {  	_ =	shalt  }
0x57: {  	_ =	shalt  }
0x58: {  	_ =	shalt  }
0x59: {  	_ =	shalt  }
0x5a: {  	_ =	shalt  }
0x5b: {  	_ =	shalt  }
0x5c: {  	_ =	shalt  }
0x5d: {  	_ =	shalt  }
0x5e: {  	_ =	shalt  }
0x5f: {  	_ =	shalt  }
0x60: {  	_ =	shalt  }
0x61: {  	_ =	shalt  }
0x62: {  	_ =	shalt  }
0x63: {  	_ =	shalt  }
0x64: {  	_ =	shalt  }
0x65: {  	_ =	shalt  }
0x66: {  	_ =	shalt  }
0x67: {  	_ =	shalt  }
0x68: {  	_ =	shalt  }
0x69: {  	_ =	shalt  }
0x6a: {  	_ =	shalt  }
0x6b: {  	_ =	shalt  }
0x6c: {  	_ =	shalt  }
0x6d: {  	_ =	shalt  }
0x6e: {  	_ =	shalt  }
0x6f: {  	_ =	shalt  }
0x70: {  	_ =	shalt  }
0x71: {  	_ =	shalt  }
0x72: {  	_ =	shalt  }
0x73: {  	_ =	shalt  }
0x74: {  	_ =	shalt  }
0x75: {  	_ =	shalt  }
0x76: {  	_ =	shalt  }
0x77: {  	_ =	shalt  }
0x78: {  	_ =	shalt  }
0x79: {  	_ =	shalt  }
0x7a: {  	_ =	shalt  }
0x7b: {  	_ =	shalt  }
0x7c: {  	_ =	shalt  }
0x7d: {  	_ =	shalt  }
0x7e: {  	_ =	shalt  }
0x7f: {  	_ =	shalt  }
0x80: {  	_ =	shalt  }
0x81: {  	_ =	shalt  }
0x82: {  	_ =	shalt  }
0x83: {  	_ =	shalt  }
0x84: {  	_ =	shalt  }
0x85: {  	_ =	shalt  }
0x86: {  	_ =	shalt  }
0x87: {  	_ =	shalt  }
.Lfunc_end0:
.L_simem_size_0:
called_computation.2_lowered:
.L_overlay_start_0:
0x88: {  	s2 =	sld [smem:$0x3FD9]  }
0x89: {  	s3 =	sld [smem:$0x3FFE];
	_ =	sdelay $0x1  }
0x8a: {  	s1 =	srdreg.scid  }
0x8b: {  	s0 =	sand.u32 $0x1, s1  }
0x8c: {  	s14 =	sshll.u32 s0, $0xA;
	s2 =	sadd.s32 s3, s2  }
0x8d: {  	s2 =	sadd.s32 s2, s14  }
0x8e: {  	[smem:$0x3FBB] =	sst s2  }
0x8f: {  	_ = 	snop  }
0x90: {  	s2 =	sld [smem:$0x3FD0];
	_ =	sdelay $0x2  }
0x91: {  	s15 =	simm.s32 $0xA;
	s4 =	simm.s32 $0x10  }
0x92: {  	[smem:s4], [sflag:s15] =	dma.local [hbm:s2], $0x1  }
0x93: {  	_ =	swait.eq [sflag:s15], $0x1  }
0x94: {  	[sflag:s15] =	ssyncset.done $0x0  }
0x95: {  	[sflag:s15] =	ssyncadd.s32 $0xFFFFFFFF  }
0x96: {  	s16 =	sld [smem:$0x11];
	(tm) =	ssettm $0x1  }
0x97: {  	s17 =	sld [smem:$0x3FFB];
	_ =	sdelay $0x3  }
0x98: {  	_ =	strace s17  }
0x99: {  	s3 =	sld [smem:$0x3FFC];
	_ =	sdelay $0x3  }
0x9a: {  	_ =	strace s3  }
0x9b: {  	s3 =	sld [smem:$0x3FFD];
	_ =	sdelay $0x3  }
0x9c: {  	_ =	strace s3  }
0x9d: {  	_ =	strace $0x8FFFFFFF  }
0x9e: {  	s18 =	sld [smem:$0x3FDB];
	_ =	sdelay $0x1  }
0x9f: {  	s19 =	simm.s32 $_scs_section_size  }
0xa0: {  	s5 =	simm.s32 $_size__tile_overlayer_lowered;
	s6 =	simm.s32 $_tile_overlayer_lowered  }
0xa1: {  	s22 =	simm.s32 $0x1BFF;
	s21 =	sshll.u32 s6, $0x1;
	s3 =	sadd.s32 s19, s18  }
0xa2: {  	s7 =	simm.s32 $0x0;
	s20 =	sshll.u32 s5, $0x1;
	s5 =	sadd.s32 s21, s3  }
0xa3: {  	[timem:s7], [sflag:s22] =	dma.local [hbm:s5], s20  }
0xa4: {  	_ =	swait.ge [sflag:s22], s20  }
0xa5: {  	s4 =	ssub.s32 $0x0, s20;
	[sflag:s22] =	ssyncset.done $0x0  }
0xa6: {  	[sflag:s22] =	ssyncadd.s32 s4;
	_ =	sdelay $0x1  }
0xa7: {  	s23 =	simm.s32 $0x1B8B  }
0xa8: {  	_ =	swait.ge [sflag:s23], $0x1  }
0xa9: {  	[sflag:s23] =	ssyncset.done $0x0  }
0xaa: {  	s25 =	simm.s32 $0x1B8E;
	s24 =	sld [smem:$0x3FFE];
	[sflag:s23] =	ssyncadd.s32 $0xFFFFFFFF  }
0xab: {  	s26 =	simm.s32 $execute0_lowered;
	[smem:$0x3FD2] =	sst s25  }
0xac: {  	s5 =	sshll.u32 s26, $0x1;
	_ =	strace $0x8000004C;
	[dreg:$0x1] =	wrdreg $0xFFFFFFFF  }
0xad: {  	s28 =	simm.s32 $_size_execute0_lowered;
	s3 =	sadd.s32 s3, s5;
	[dreg:$0x0] =	wrdreg $0x0  }
0xae: {  	s5 =	sshll.u32 s28, $0x1;
	[dreg:$0x2] =	wrdreg s3  }
0xaf: {  	[dreg:$0x3] =	wrdreg s5  }
0xb0: {  	[dreg:$0x4] =	wrdreg $0xC0  }
0xb1: {  	_ =	task [dreg:s7], $0x5FFFF  }
0xb2: {  	[dreg:$0x1] =	wrdreg $0xFFFFFFFF  }
0xb3: {  	[dreg:$0x0] =	wrdreg $0x60  }
0xb4: {  	[dreg:$0x2] =	wrdreg s24  }
0xb5: {  	[dreg:$0x3] =	wrdreg s16  }
0xb6: {  	[dreg:$0x4] =	wrdreg $0x0  }
0xb7: {  	[dreg:$0x5] =	wrdreg $0x9  }
0xb8: {  	_ =	task.clear_ibuf [dreg:s7], $0x6FFFF;
	_ =	strace $0x9000004C  }
0xb9: {  	s29 =	simm.s32 $0x9;
	_ =	strace $0x8000004E  }
0xba: {  	_ =	swait.ge [sflag:s29], $0x1  }
0xbb: {  	[sflag:s29] =	ssyncadd.s32 $0xFFFFFFFF  }
0xbc: {  	_ =	strace $0x9000004E  }
0xbd: {  	_ =	sfence  }
0xbe: {  	s30 =	sld [smem:$0x0];
	_ =	sdelay $0x2  }
0xbf: {  	s31 =	sshll.u32 s1, $0xD;
	s1 =	sshrl.u32 s1, $0x2  }
0xc0: {  	s3 =	sand.u32 $0x4000, s31;
	s1 =	sadd.s32 s1, s30  }
0xc1: {  	s0 =	sor.u32 s3, s0;
	s1 =	sshll.u32 s1, $0x11  }
0xc2: {  	s0 =	sor.u32 s1, s0  }
0xc3: {  	s0 =	sadd.s32 $0x8F2B, s0  }
0xc4: {  	[sflag:s0] =	ssyncadd.remote.s32 $0x1  }
0xc5: {  	_ =	sfence.sel $0xFFFF  }
0xc6: {  	[dreg:$0x0] =	wrdreg $0xFFFFFFFF;
	(pc) =	sbr.abs _section_cstart, $3  }
0xc7: {  	[dreg:$0x1] =	wrdreg $0xFFFFFFFF  }
0xc8: {  	_ =	task.clear_ibuf [dreg:s7], $0x2FFFF;
	_ =	strace $0x9FFFFFFF  }
0xc9: {  	(tm) =	ssettm $0x7FFFFFFF  }
tec
execute0_lowered:
.L_overlay_start_1:
0x0: {  	(tag) =	ssettag $0x1  }
0x1: {  	s6 =	rddreg [dreg:$0x0]  }
0x2: {  	s2 =	rddreg [dreg:$0x1]  }
0x3: {  	s0 =	srdreg.scid;
	s3 =	rddreg [dreg:$0x2]  }
0x4: {  	s1 =	rddreg [dreg:$0x3];
	s7 =	sand.u32 $0x1, s0  }
0x5: {  	s4 =	simm.s32 $0x0;
	s0 =	stileid.u32;
	s5 =	smul.u32 $0x28000, s7  }
0x6: {  	s14 =	simm.s32 $0xA080;
	s15 =	simm.s32 $0x80;
	s8 =	smul.u32 $0x2800, s0  }
0x7: {  	s16 =	simm.s32 $0xA100;
	s17 =	simm.s32 $0x1;
	s9 =	smul.u32 $0xA000, s0  }
0x8: {  	s18 =	simm.s32 $0x0;
	[smem:$0x7FF] =	sst s4;
	s10 =	smul.u32 $0xA0000, s7  }
0x9: {  	_ =	strace $0x8000004D;
	s7 =	ssub.s32 $0x2, s7;
	s31 =	sshll.u32 s0, $0x6  }
0xa: {  	s30 =	sshrl.u32 s7, $0x1;
	s8 =	sadd.s32 s8, s5;
	s10 =	sadd.s32 s9, s10  }
0xb: {  	s5 =	sadd.s32 $0x16000, s6;
	s8 =	sshrl.u32 s8, $0x3;
	s29 =	sshrl.u32 s10, $0x3  }
0xc: {  	s12 =	ssub.s32 s7, s30;
	s11 =	sadd.s32 s8, s6;
	s8 =	sadd.s32 s29, s6  }
0xd: {  	s13 =	sadd.s32 s9, s3;
	s6 =	sor.u32 $0x1C02, s31;
	s7 =	sadd.s32 $0x2A000, s8  }
0xe: {  	s8 =	smax.u32 s12, $0x1;
	s9 =	sadd.s32 $0x2000, s11;
	s10 =	sadd.s32 $0xC000, s11  }
0xf: {  	s11 =	sshrl.u32 s13, $0x3;
	s12 =	simm.s32 $0x2;
	s13 =	simm.s32 $0xA000  }
.LBB2_1:
0x10: {  	[spmem:s11], [sflag:s6] =	dma.local [hbm:s2], $0x1400  }
0x11: {  	_ =	swait.ge [sflag:s12], $0x1400  }
0x12: {  	[sflag:s12] =	ssyncset.done $0x0  }
0x13: {  	[sflag:s12] =	ssyncadd.s32 $0xFFFFEC00  }
0x14: {  	s19 =	sadd.s32 $0x0, s10;
	[bflag:$0x0] =	sbarrier.arrive $0xFFFF  }
0x15: {  	[tilespmem:s13], [sflag:$0x2] =	stream.linear.gather [hbm4b:s19+s4], $0x80, $0x38;
	[tilespmem:$0xC100] =	vst v63  }
0x16: {  	_ =	swait.ge [sflag:s12], $0x80  }
0x17: {  	[sflag:s12] =	ssyncset.done $0x0  }
0x18: {  	s31 =	sadd.s32 $0x0, s9;
	[sflag:s12] =	ssyncadd.s32 $0xFFFFFF80  }
0x19: {  	[tilespmem:s14], [sflag:$0x2] =	stream.linear.gather [hbm4b:s31+s4], $0x80, $0x38;
	[tilespmem:$0xC100] =	vst v63  }
0x1a: {  	_ =	swait.ge [sflag:s12], $0x80  }
0x1b: {  	[sflag:s12] =	ssyncset.done $0x0  }
0x1c: {  	[sflag:s12] =	ssyncadd.s32 $0xFFFFFF80  }
0x1d: {  	[tilespmem:s16], [sflag:$0x1] =	stream.indirect.gather [hbm4b:s5+s15], $0x40, s13, s15, $0xb8;
	[tilespmem:$0xC100] =	vst v63  }
0x1e: {  	_ =	swait.ge [sflag:s17], $0x2000  }
0x1f: {  	[sflag:s17] =	ssyncset.done $0x0  }
0x20: {  	[sflag:s17] =	ssyncadd.s32 $0xFFFFE000  }
0x21: {  	[spmem:s3] =	stream.indirect.scatter.add.f32 [tilespmem:s16], [sflag:$0x2], $0x40, s14, s15, $0xb8;
	[tilespmem:$0xC100] =	vst v63  }
0x22: {  	_ =	swait.ge [sflag:s12], $0x2000  }
0x23: {  	s20 =	simm.s32 $0x20;
	s19 =	simm.s32 $0x10;
	[sflag:s12] =	ssyncset.done $0x0  }
.LBB2_2:
0x24: {  	s21 =	sadd.s32 s19, s10  }
0x25: {  	[sflag:s12] =	ssyncadd.s32 $0xFFFFE000;
	s22 =	smov.u32 s20;
	s23 =	sadd.s32 $0x10, s20  }
0x26: {  	[tilespmem:s13], [sflag:$0x2] =	stream.linear.gather [hbm4b:s21+s4], $0x80, $0x38;
	[tilespmem:$0xC100] =	vst v63  }
0x27: {  	p0 =	sne.s32 s20, $0x4F0;
	_ =	swait.ge [sflag:s12], $0x80  }
0x28: {  	[sflag:s12] =	ssyncset.done $0x0  }
0x29: {  	s20 =	sadd.s32 s19, s9;
	s19 =	smov.u32 s22;
	[sflag:s12] =	ssyncadd.s32 $0xFFFFFF80  }
0x2a: {  	[tilespmem:s14], [sflag:$0x2] =	stream.linear.gather [hbm4b:s20+s4], $0x80, $0x38;
	[tilespmem:$0xC100] =	vst v63  }
0x2b: {  	_ =	swait.ge [sflag:s12], $0x80  }
0x2c: {  	[sflag:s12] =	ssyncset.done $0x0  }
0x2d: {  	[sflag:s12] =	ssyncadd.s32 $0xFFFFFF80  }
0x2e: {  	[tilespmem:s16], [sflag:$0x1] =	stream.indirect.gather [hbm4b:s5+s15], $0x40, s13, s15, $0xb8;
	[tilespmem:$0xC100] =	vst v63  }
0x2f: {  	_ =	swait.ge [sflag:s17], $0x2000  }
.Ltmp0:
0x30: {  	[sflag:s17] =	ssyncset.done $0x0;
	(pc) =	sbr.rel @p0 .LBB2_2-.Ltmp0, $4  }
0x31: {  	[sflag:s17] =	ssyncadd.s32 $0xFFFFE000  }
0x32: {  	[spmem:s3] =	stream.indirect.scatter.add.f32 [tilespmem:s16], [sflag:$0x2], $0x40, s14, s15, $0xb8;
	[tilespmem:$0xC100] =	vst v63  }
0x33: {  	_ =	swait.ge [sflag:s12], $0x2000  }
0x34: {  	s20 =	smov.u32 s23;
	[sflag:s12] =	ssyncset.done $0x0  }
0x35: {  	s20 =	sadd.s32 s19, s10;
	[sflag:s12] =	ssyncadd.s32 $0xFFFFE000  }
0x36: {  	[tilespmem:s13], [sflag:$0x2] =	stream.linear.gather [hbm4b:s20+s4], $0x80, $0x38;
	[tilespmem:$0xC100] =	vst v63  }
0x37: {  	_ =	swait.ge [sflag:s12], $0x80  }
0x38: {  	[sflag:s12] =	ssyncset.done $0x0  }
0x39: {  	s31 =	sadd.s32 s19, s9;
	[sflag:s12] =	ssyncadd.s32 $0xFFFFFF80  }
0x3a: {  	[tilespmem:s14], [sflag:$0x2] =	stream.linear.gather [hbm4b:s31+s4], $0x80, $0x38;
	[tilespmem:$0xC100] =	vst v63  }
0x3b: {  	_ =	swait.ge [sflag:s12], $0x80  }
0x3c: {  	[sflag:s12] =	ssyncset.done $0x0  }
0x3d: {  	[sflag:s12] =	ssyncadd.s32 $0xFFFFFF80  }
0x3e: {  	[tilespmem:s16], [sflag:$0x1] =	stream.indirect.gather [hbm4b:s5+s15], $0x40, s13, s15, $0xb8;
	[tilespmem:$0xC100] =	vst v63  }
0x3f: {  	_ =	swait.ge [sflag:s17], $0x2000  }
0x40: {  	[sflag:s17] =	ssyncset.done $0x0  }
0x41: {  	[sflag:s17] =	ssyncadd.s32 $0xFFFFE000  }
0x42: {  	[spmem:s3] =	stream.indirect.scatter.add.f32 [tilespmem:s16], [sflag:$0x2], $0x40, s14, s15, $0xb8;
	[tilespmem:$0xC100] =	vst v63  }
0x43: {  	_ =	swait.ge [sflag:s12], $0x2000  }
0x44: {  	s18 =	sadd.s32 $0x1, s18;
	[sflag:s12] =	ssyncset.done $0x0  }
0x45: {  	p0 =	sne.s32 s18, s8;
	[sflag:s12] =	ssyncadd.s32 $0xFFFFE000  }
.Ltmp1:
0x46: {  	[bflag:$0x0] =	sbarrier.arrive $0xFFFF;
	(pc) =	sbr.rel @p0 .LBB2_1-.Ltmp1, $4  }
0x47: {  	[hbm:s7], [sflag:s6] =	dma.local [spmem:s11], $0x1400  }
0x48: {  	_ =	swait.ge [sflag:s12], $0x1400  }
0x49: {  	[sflag:s12] =	ssyncset.done $0x0  }
0x4a: {  	[sflag:s12] =	ssyncadd.s32 $0xFFFFEC00  }
0x4b: {  	_ =	sfence.sel $0x180000  }
0x4c: {  	[bflag:$0x0] =	sbarrier.arrive $0xFFFF  }
0x4d: {  	p0 =	sne.s32 s0, $0x0;
	_ =	strace $0x9000004D  }
0x4e: {  	s0 =	sadd.s32 @!p0 $0x100000, s1;
	[bflag:$0x2] =	sbarrier.arrive $0xFFFF  }
0x4f: {  	[sflag:s0] =	ssyncadd.tile.s32 @!p0 $0x1;
	_ =	shalt  }
.Lfunc_end2:
_tile_overlayer_lowered:
.L_overlay_start_2:
0x50: {  	(tag) =	ssettag $0x2  }
0x51: {  	s0 =	rddreg [dreg:$0x0];
	s2 =	stileid.u32  }
0x52: {  	s1 =	rddreg [dreg:$0x1];
	p0 =	sne.s32 s2, $0x0  }
0x53: {  	s3 =	rddreg [dreg:$0x2];
	[bflag:$0x3] =	sbarrier.arrive $0xFFFF;
	s2 =	simm.s32 @!p0 $0x1C02  }
0x54: {  	[timem:s3], [sflag:s2] =	dma.local @!p0 [hbm:s0], s1  }
0x55: {  	s0 =	simm.s32 @!p0 $0x2  }
0x56: {  	_ =	swait.ge @!p0 [sflag:s0], s1  }
0x57: {  	s1 =	ssub.s32 @!p0 $0x0, s1;
	[sflag:s0] =	ssyncset.done @!p0 $0x0  }
0x58: {  	[sflag:s0] =	ssyncadd.s32 @!p0 s1  }
0x59: {  	[bflag:$0x3] =	sbarrier.arrive $0xFFFF  }
0x5a: {  	_ =	shalt  }

// kernel: kernel.8.cloned.1.call-start
scs
__scs_entry_jumppad:
0x0: {  	(pc) =	sbr.rel $0x88, $3  }
0x1: {  	(tag) =	ssettag $0x0;
	lr =	simm.s32 $0x1  }
0x2: {  	[smem:$0x3F94] =	sst lr;
	_ =	strace $0xD0000000  }
0x3: {  	_ = 	snop  }
0x4: {  	_ = 	snop  }
0x5: {  	_ = 	snop  }
0x6: {  	_ = 	snop  }
0x7: {  	_ = 	snop  }
__scs_overlays_trampoline_lowered:
0x8: {  	[smem:$0x3FA3] =	sst s0  }
0x9: {  	[smem:$0x3FA4] =	sst s1  }
0xa: {  	[smem:$0x3FA5] =	sst s2  }
0xb: {  	[smem:$0x3FA6] =	sst s3  }
0xc: {  	[smem:$0x3FA7] =	sst s4  }
0xd: {  	[smem:$0x3FA8] =	sst s5  }
0xe: {  	[smem:$0x3FA9] =	sst s6  }
0xf: {  	[smem:$0x3FAA] =	sst s7  }
0x10: {  	[smem:$0x3FAB] =	sst s8  }
0x11: {  	[smem:$0x3FAC] =	sst s9;
	s0 =	simm.s32 @!p0 $0x0  }
0x12: {  	s1 =	sld [smem:$0x3F92];
	s0 =	simm.s32 @p0 $0x1  }
0x13: {  	[smem:$0x3FAD] =	sst s0;
	s0 =	simm.s32 @!p1 $0x0  }
0x14: {  	s2 =	sld [smem:$0x3F91];
	s0 =	simm.s32 @p1 $0x1  }
0x15: {  	[smem:$0x3FAE] =	sst s0;
	s0 =	simm.s32 @!p2 $0x0  }
0x16: {  	s3 =	sld [smem:$0x3FDB];
	s0 =	simm.s32 @p2 $0x1  }
0x17: {  	s4 =	simm.s32 $0x1BF5;
	[smem:$0x3FB0] =	sst s0  }
0x18: {  	s0 =	sld [smem:$0x3F93];
	_ =	swait.ge [sflag:s4], $0x0  }
0x19: {  	s7 =	sld [smem:$0x3F94]  }
0x1a: {  	s8 =	sadd.s32 $0xFFFFE003, lr  }
0x1b: {  	s9 =	sadd.s32 $0xFFFFFEF7, lr;
	s5 =	simm.s32 $0xFFFFFFFF;
	p2 =	slt.u32 s8, $0xFFFFF086  }
0x1c: {  	p1 =	slt.u32 s9, $0xF7A;
	s5 =	simm.s32 @!p2 $0x0  }
0x1d: {  	s5 =	simm.s32 @p1 $0x1;
	p0 =	seq.s32 s7, s2  }
0x1e: {  	s7 =	smul.u32 @!p0 $0xF7A, s2;
	p2 =	seq.s32 @!p0 s5, $0x0  }
0x1f: {  	s9 =	smul.u32 $0xF7A, s1;
	s8 =	simm.s32 @!p0 $0x1BF5;
	p2 =	por !p2, p0  }
0x20: {  	[sflag:s8] =	ssyncset.s32 @!p0 $0xFFFFF086;
	s6 =	sadd.s32 @!p0 s3, s7;
	s7 =	simm.s32 @!p0 $0x108  }
0x21: {  	s3 =	sadd.s32 s3, s9;
	s6 =	sadd.s32 @!p0 $0x88, s6;
	s7 =	simm.s32 @p2 $0x1082  }
0x22: {  	[simem:s7], [sflag:s8] =	dma.local @!p0 [hbm:s6], $0xF7A  }
0x23: {  	s9 =	sor.u32 $0xD0000000, s2;
	s6 =	simm.s32 $0x108;
	_ =	swait.ge @!p0 [sflag:s8], $0x0  }
0x24: {  	s3 =	sadd.s32 $0x88, s3;
	s6 =	simm.s32 @!p1 $0x1082;
	[sflag:s4] =	ssyncset.s32 $0xFFFFF086  }
0x25: {  	[simem:s6], [sflag:s4] =	dma.local [hbm:s3], $0xF7A  }
0x26: {  	[smem:$0x3F94] =	sst s1;
	(tag) =	ssettag s2;
	_ =	strace s9  }
0x27: {  	s1 =	sld [smem:$0x3FA4]  }
0x28: {  	s2 =	sld [smem:$0x3FA5]  }
0x29: {  	s4 =	sld [smem:$0x3FA7]  }
0x2a: {  	p0 =	seq.s32 s5, $0x0;
	s5 =	sld [smem:$0x3FA8]  }
0x2b: {  	s6 =	sld [smem:$0x3FA9]  }
0x2c: {  	s7 =	sld [smem:$0x3FAA]  }
0x2d: {  	s3 =	simm.s32 $0x108;
	s8 =	sld [smem:$0x3FAB]  }
0x2e: {  	s3 =	simm.s32 @!p0 $0x1082;
	s9 =	sld [smem:$0x3FAC]  }
0x2f: {  	lr =	sadd.s32 s0, s3;
	s0 =	sld [smem:$0x3FA3]  }
0x30: {  	s3 =	sld [smem:$0x3FA6]  }
0x31: {  	[smem:$0x3FAF] =	sst s10  }
0x32: {  	s10 =	sld [smem:$0x3FAD];
	_ =	sdelay $0x3  }
0x33: {  	p0 =	seq.s32 s10, $0x1;
	s10 =	sld [smem:$0x3FAF];
	_ =	sdelay $0x3  }
0x34: {  	[smem:$0x3FAF] =	sst s10  }
0x35: {  	s10 =	sld [smem:$0x3FAE];
	_ =	sdelay $0x3  }
0x36: {  	p1 =	seq.s32 s10, $0x1;
	s10 =	sld [smem:$0x3FAF];
	_ =	sdelay $0x3  }
0x37: {  	[smem:$0x3FAF] =	sst s10  }
0x38: {  	s10 =	sld [smem:$0x3FB0]  }
0x39: {  	_ = 	snop;
	(pc) =	sbr.ind lr, $3  }
0x3a: {  	_ = 	snop  }
0x3b: {  	_ = 	snop  }
0x3c: {  	p2 =	seq.s32 s10, $0x1;
	s10 =	sld [smem:$0x3FAF]  }
0x3d: {  	_ =	shalt  }
0x3e: {  	_ =	shalt  }
0x3f: {  	_ =	shalt  }
0x40: {  	_ =	shalt  }
0x41: {  	_ =	shalt  }
0x42: {  	_ =	shalt  }
0x43: {  	_ =	shalt  }
0x44: {  	_ =	shalt  }
0x45: {  	_ =	shalt  }
0x46: {  	_ =	shalt  }
0x47: {  	_ =	shalt  }
0x48: {  	_ =	shalt  }
0x49: {  	_ =	shalt  }
0x4a: {  	_ =	shalt  }
0x4b: {  	_ =	shalt  }
0x4c: {  	_ =	shalt  }
0x4d: {  	_ =	shalt  }
0x4e: {  	_ =	shalt  }
0x4f: {  	_ =	shalt  }
0x50: {  	_ =	shalt  }
0x51: {  	_ =	shalt  }
0x52: {  	_ =	shalt  }
0x53: {  	_ =	shalt  }
0x54: {  	_ =	shalt  }
0x55: {  	_ =	shalt  }
0x56: {  	_ =	shalt  }
0x57: {  	_ =	shalt  }
0x58: {  	_ =	shalt  }
0x59: {  	_ =	shalt  }
0x5a: {  	_ =	shalt  }
0x5b: {  	_ =	shalt  }
0x5c: {  	_ =	shalt  }
0x5d: {  	_ =	shalt  }
0x5e: {  	_ =	shalt  }
0x5f: {  	_ =	shalt  }
0x60: {  	_ =	shalt  }
0x61: {  	_ =	shalt  }
0x62: {  	_ =	shalt  }
0x63: {  	_ =	shalt  }
0x64: {  	_ =	shalt  }
0x65: {  	_ =	shalt  }
0x66: {  	_ =	shalt  }
0x67: {  	_ =	shalt  }
0x68: {  	_ =	shalt  }
0x69: {  	_ =	shalt  }
0x6a: {  	_ =	shalt  }
0x6b: {  	_ =	shalt  }
0x6c: {  	_ =	shalt  }
0x6d: {  	_ =	shalt  }
0x6e: {  	_ =	shalt  }
0x6f: {  	_ =	shalt  }
0x70: {  	_ =	shalt  }
0x71: {  	_ =	shalt  }
0x72: {  	_ =	shalt  }
0x73: {  	_ =	shalt  }
0x74: {  	_ =	shalt  }
0x75: {  	_ =	shalt  }
0x76: {  	_ =	shalt  }
0x77: {  	_ =	shalt  }
0x78: {  	_ =	shalt  }
0x79: {  	_ =	shalt  }
0x7a: {  	_ =	shalt  }
0x7b: {  	_ =	shalt  }
0x7c: {  	_ =	shalt  }
0x7d: {  	_ =	shalt  }
0x7e: {  	_ =	shalt  }
0x7f: {  	_ =	shalt  }
0x80: {  	_ =	shalt  }
0x81: {  	_ =	shalt  }
0x82: {  	_ =	shalt  }
0x83: {  	_ =	shalt  }
0x84: {  	_ =	shalt  }
0x85: {  	_ =	shalt  }
0x86: {  	_ =	shalt  }
0x87: {  	_ =	shalt  }
.Lfunc_end0:
.L_simem_size_0:
called_computation_lowered:
.L_overlay_start_0:
0x88: {  	s2 =	sld [smem:$0x3FD9]  }
0x89: {  	s3 =	sld [smem:$0x3FFE];
	_ =	sdelay $0x1  }
0x8a: {  	s1 =	srdreg.scid  }
0x8b: {  	s0 =	sand.u32 $0x1, s1  }
0x8c: {  	s14 =	sshll.u32 s0, $0xA;
	s2 =	sadd.s32 s3, s2  }
0x8d: {  	s2 =	sadd.s32 s2, s14  }
0x8e: {  	[smem:$0x3FBB] =	sst s2  }
0x8f: {  	_ = 	snop  }
0x90: {  	s2 =	sld [smem:$0x3FD0];
	_ =	sdelay $0x2  }
0x91: {  	s15 =	simm.s32 $0xA;
	s4 =	simm.s32 $0x10  }
0x92: {  	[smem:s4], [sflag:s15] =	dma.local [hbm:s2], $0x1  }
0x93: {  	_ =	swait.eq [sflag:s15], $0x1  }
0x94: {  	s16 =	sld [smem:$0x10];
	[sflag:s15] =	ssyncset.done $0x0  }
0x95: {  	s17 =	sld [smem:$0x11];
	[sflag:s15] =	ssyncadd.s32 $0xFFFFFFFF  }
0x96: {  	s18 =	sld [smem:$0x12];
	(tm) =	ssettm $0x1  }
0x97: {  	s5 =	sld [smem:$0x3FFB];
	_ =	sdelay $0x3  }
0x98: {  	_ =	strace s5  }
0x99: {  	s5 =	sld [smem:$0x3FFC];
	_ =	sdelay $0x3  }
0x9a: {  	_ =	strace s5  }
0x9b: {  	s5 =	sld [smem:$0x3FFD];
	_ =	sdelay $0x3  }
0x9c: {  	_ =	strace s5  }
0x9d: {  	_ =	strace $0x8FFFFFFF  }
0x9e: {  	s19 =	sld [smem:$0x3FDB];
	_ =	sdelay $0x1  }
0x9f: {  	s6 =	simm.s32 $_scs_section_size  }
0xa0: {  	s7 =	simm.s32 $_size__tile_overlayer_lowered;
	s8 =	simm.s32 $_tile_overlayer_lowered  }
0xa1: {  	s22 =	simm.s32 $0x1BFF;
	s21 =	sshll.u32 s8, $0x1;
	s5 =	sadd.s32 s6, s19  }
0xa2: {  	s9 =	simm.s32 $0x0;
	s20 =	sshll.u32 s7, $0x1;
	s7 =	sadd.s32 s21, s5  }
0xa3: {  	[timem:s9], [sflag:s22] =	dma.local [hbm:s7], s20  }
0xa4: {  	_ =	swait.ge [sflag:s22], s20  }
0xa5: {  	s6 =	ssub.s32 $0x0, s20;
	[sflag:s22] =	ssyncset.done $0x0  }
0xa6: {  	[sflag:s22] =	ssyncadd.s32 s6;
	_ =	sdelay $0x1  }
0xa7: {  	s23 =	simm.s32 $0x1B8B  }
0xa8: {  	_ =	swait.ge [sflag:s23], $0x1  }
0xa9: {  	[sflag:s23] =	ssyncset.done $0x0  }
0xaa: {  	s25 =	simm.s32 $0x1B8E;
	s24 =	sld [smem:$0x3FFE];
	[sflag:s23] =	ssyncadd.s32 $0xFFFFFFFF  }
0xab: {  	s26 =	simm.s32 $execute0_lowered;
	[smem:$0x3FD2] =	sst s25  }
0xac: {  	s7 =	sshll.u32 s26, $0x1;
	_ =	strace $0x80000046;
	[dreg:$0x1] =	wrdreg $0xFFFFFFFF  }
0xad: {  	s28 =	simm.s32 $_size_execute0_lowered;
	s5 =	sadd.s32 s5, s7;
	[dreg:$0x0] =	wrdreg $0x0  }
0xae: {  	s7 =	sshll.u32 s28, $0x1;
	[dreg:$0x2] =	wrdreg s5  }
0xaf: {  	[dreg:$0x3] =	wrdreg s7  }
0xb0: {  	[dreg:$0x4] =	wrdreg $0xC0  }
0xb1: {  	_ =	task [dreg:s9], $0x5FFFF  }
0xb2: {  	[dreg:$0x1] =	wrdreg $0xFFFFFFFF  }
0xb3: {  	[dreg:$0x0] =	wrdreg $0x60  }
0xb4: {  	[dreg:$0x2] =	wrdreg s24  }
0xb5: {  	[dreg:$0x3] =	wrdreg s18  }
0xb6: {  	[dreg:$0x4] =	wrdreg s16  }
0xb7: {  	[dreg:$0x5] =	wrdreg s17  }
0xb8: {  	[dreg:$0x6] =	wrdreg $0x0  }
0xb9: {  	[dreg:$0x7] =	wrdreg $0x9  }
0xba: {  	_ =	task.clear_ibuf [dreg:s9], $0x8FFFF;
	_ =	strace $0x90000046  }
0xbb: {  	s29 =	simm.s32 $0x9;
	_ =	strace $0x80000048  }
0xbc: {  	_ =	swait.ge [sflag:s29], $0x1  }
0xbd: {  	[sflag:s29] =	ssyncadd.s32 $0xFFFFFFFF  }
0xbe: {  	_ =	strace $0x90000048  }
0xbf: {  	_ =	sfence  }
0xc0: {  	s30 =	sld [smem:$0x0];
	_ =	sdelay $0x2  }
0xc1: {  	s31 =	sshll.u32 s1, $0xD;
	s1 =	sshrl.u32 s1, $0x2  }
0xc2: {  	s3 =	sand.u32 $0x4000, s31;
	s1 =	sadd.s32 s1, s30  }
0xc3: {  	s0 =	sor.u32 s3, s0;
	s1 =	sshll.u32 s1, $0x11  }
0xc4: {  	s0 =	sor.u32 s1, s0  }
0xc5: {  	s0 =	sadd.s32 $0x8F2B, s0  }
0xc6: {  	[sflag:s0] =	ssyncadd.remote.s32 $0x1  }
0xc7: {  	_ =	sfence.sel $0xFFFF  }
0xc8: {  	[dreg:$0x0] =	wrdreg $0xFFFFFFFF;
	(pc) =	sbr.abs _section_cstart, $3  }
0xc9: {  	[dreg:$0x1] =	wrdreg $0xFFFFFFFF  }
0xca: {  	_ =	task.clear_ibuf [dreg:s9], $0x2FFFF;
	_ =	strace $0x9FFFFFFF  }
0xcb: {  	(tm) =	ssettm $0x7FFFFFFF  }
tec
execute0_lowered:
.L_overlay_start_1:
0x0: {  	(tag) =	ssettag $0x1  }
0x1: {  	s6 =	rddreg [dreg:$0x0]  }
0x2: {  	s1 =	rddreg [dreg:$0x1]  }
0x3: {  	s2 =	rddreg [dreg:$0x2]  }
0x4: {  	s7 =	rddreg [dreg:$0x3]  }
0x5: {  	s3 =	rddreg [dreg:$0x4]  }
0x6: {  	s0 =	rddreg [dreg:$0x5];
	s4 =	simm.s32 $0x0;
	s5 =	srdreg.scid  }
0x7: {  	s13 =	simm.s32 $0x280;
	s14 =	simm.s32 $0x80;
	s15 =	simm.s32 $0x20  }
0x8: {  	s16 =	simm.s32 $0x10;
	[smem:$0x7FF] =	sst s4;
	s8 =	sand.u32 $0x1, s5  }
0x9: {  	s17 =	simm.s32 $0x0;
	s5 =	stileid.u32;
	s9 =	smul.u32 $0x5000, s8  }
0xa: {  	_ =	strace $0x80000047;
	s10 =	smul.u32 $0x500, s5;
	s11 =	ssub.s32 $0x2, s8  }
0xb: {  	s12 =	smul.u32 $0xA00, s5;
	s8 =	sshll.u32 s8, $0x7;
	s31 =	sshll.u32 s5, $0x6  }
0xc: {  	s28 =	sshrl.u32 s11, $0x1;
	s9 =	sadd.s32 s9, s6;
	s8 =	sor.u32 s8, s10  }
0xd: {  	s11 =	ssub.s32 s11, s28;
	s29 =	sshrl.u32 s12, $0x2;
	s8 =	sshrl.u32 s8, $0x3  }
0xe: {  	s12 =	sadd.s32 s29, s3;
	s30 =	sadd.s32 s10, s9;
	s9 =	simm.s32 $0x300  }
0xf: {  	s10 =	simm.s32 $0x1;
	s6 =	sadd.s32 s7, s8;
	s7 =	smax.u32 s11, $0x1  }
0x10: {  	s8 =	sadd.s32 $0x2000, s30;
	s11 =	sor.u32 $0x1C01, s31;
	s12 =	sshrl.u32 s12, $0x3  }
.LBB2_1:
0x11: {  	[tilespmem:s9], [sflag:$0x1] =	stream.linear.gather [hbm4b:s2+s4], $0x80, $0x38;
	[tilespmem:$0x380] =	vst v63  }
0x12: {  	_ =	swait.ge [sflag:s10], $0x80  }
0x13: {  	[sflag:s10] =	ssyncset.done $0x0  }
0x14: {  	[sflag:s10] =	ssyncadd.s32 $0xFFFFFF80  }
0x15: {  	[spmem:s12], [sflag:s11] =	dma.local [hbm:s1], $0x50  }
0x16: {  	_ =	swait.ge [sflag:s10], $0x50  }
0x17: {  	[sflag:s10] =	ssyncset.done $0x0  }
0x18: {  	[sflag:s10] =	ssyncadd.s32 $0xFFFFFFB0  }
0x19: {  	s18 =	sadd.s32 $0x0, s8;
	[bflag:$0x0] =	sbarrier.arrive $0xFFFF  }
0x1a: {  	[tilespmem:s13], [sflag:$0x1] =	stream.linear.gather [hbm4b:s18+s4], $0x80, $0x38;
	[tilespmem:$0x380] =	vst v63  }
0x1b: {  	_ =	swait.ge [sflag:s10], $0x80  }
0x1c: {  	[sflag:s10] =	ssyncset.done $0x0  }
0x1d: {  	[sflag:s10] =	ssyncadd.s32 $0xFFFFFF80  }
0x1e: {  	[spmem:s3] =	stream.indirect.scatter.add.f32 [tilespmem:s9], [sflag:$0x1], $0x1, s13, s14, $0xb8;
	[tilespmem:$0x380] =	vst v63  }
0x1f: {  	_ =	swait.ge [sflag:s10], $0x80  }
0x20: {  	s19 =	simm.s32 $0x20;
	s18 =	simm.s32 $0x10;
	[sflag:s10] =	ssyncset.done $0x0  }
.LBB2_2:
0x21: {  	s20 =	sadd.s32 s18, s8  }
0x22: {  	[sflag:s10] =	ssyncadd.s32 $0xFFFFFF80;
	s18 =	smov.u32 s19;
	s21 =	sadd.s32 $0x10, s19  }
0x23: {  	[tilespmem:s13], [sflag:$0x1] =	stream.linear.gather [hbm4b:s20+s4], $0x80, $0x38;
	[tilespmem:$0x380] =	vst v63  }
0x24: {  	p0 =	sne.s32 s19, $0x4F0;
	_ =	swait.ge [sflag:s10], $0x80  }
.Ltmp0:
0x25: {  	[sflag:s10] =	ssyncset.done $0x0;
	(pc) =	sbr.rel @p0 .LBB2_2-.Ltmp0, $4  }
0x26: {  	[sflag:s10] =	ssyncadd.s32 $0xFFFFFF80  }
0x27: {  	[spmem:s3] =	stream.indirect.scatter.add.f32 [tilespmem:s9], [sflag:$0x1], $0x1, s13, s14, $0xb8;
	[tilespmem:$0x380] =	vst v63  }
0x28: {  	_ =	swait.ge [sflag:s10], $0x80  }
0x29: {  	s19 =	smov.u32 s21;
	[sflag:s10] =	ssyncset.done $0x0  }
0x2a: {  	s18 =	sadd.s32 s18, s8;
	[sflag:s10] =	ssyncadd.s32 $0xFFFFFF80  }
0x2b: {  	[tilespmem:s13], [sflag:$0x1] =	stream.linear.gather [hbm4b:s18+s4], $0x80, $0x38;
	[tilespmem:$0x380] =	vst v63  }
0x2c: {  	_ =	swait.ge [sflag:s10], $0x80  }
0x2d: {  	[sflag:s10] =	ssyncset.done $0x0  }
0x2e: {  	[sflag:s10] =	ssyncadd.s32 $0xFFFFFF80  }
0x2f: {  	[spmem:s3] =	stream.indirect.scatter.add.f32 [tilespmem:s9], [sflag:$0x1], $0x1, s13, s14, $0xb8;
	[tilespmem:$0x380] =	vst v63  }
0x30: {  	_ =	swait.ge [sflag:s10], $0x80  }
0x31: {  	s17 =	sadd.s32 $0x1, s17;
	[sflag:s10] =	ssyncset.done $0x0  }
0x32: {  	p0 =	sne.s32 s17, s7;
	[sflag:s10] =	ssyncadd.s32 $0xFFFFFF80  }
.Ltmp1:
0x33: {  	[bflag:$0x0] =	sbarrier.arrive $0xFFFF;
	(pc) =	sbr.rel @p0 .LBB2_1-.Ltmp1, $4  }
0x34: {  	[hbm:s6@s15], [sflag:s11] =	dma.strided [spmem:s12@s16], $0x50, s10, $0x10   }
0x35: {  	_ =	swait.ge [sflag:s10], $0x50  }
0x36: {  	[sflag:s10] =	ssyncset.done $0x0  }
0x37: {  	[sflag:s10] =	ssyncadd.s32 $0xFFFFFFB0  }
0x38: {  	_ =	sfence.sel $0x180000  }
0x39: {  	[bflag:$0x0] =	sbarrier.arrive $0xFFFF  }
0x3a: {  	p0 =	sne.s32 s5, $0x0;
	_ =	strace $0x90000047  }
0x3b: {  	s0 =	sadd.s32 @!p0 $0x100000, s0;
	[bflag:$0x2] =	sbarrier.arrive $0xFFFF  }
0x3c: {  	[sflag:s0] =	ssyncadd.tile.s32 @!p0 $0x1;
	_ =	shalt  }
.Lfunc_end2:
_tile_overlayer_lowered:
.L_overlay_start_2:
0x3d: {  	(tag) =	ssettag $0x2  }
0x3e: {  	s0 =	rddreg [dreg:$0x0];
	s2 =	stileid.u32  }
0x3f: {  	s1 =	rddreg [dreg:$0x1];
	p0 =	sne.s32 s2, $0x0  }
0x40: {  	s3 =	rddreg [dreg:$0x2];
	[bflag:$0x3] =	sbarrier.arrive $0xFFFF;
	s2 =	simm.s32 @!p0 $0x1C01  }
0x41: {  	[timem:s3], [sflag:s2] =	dma.local @!p0 [hbm:s0], s1  }
0x42: {  	s0 =	simm.s32 @!p0 $0x1  }
0x43: {  	_ =	swait.ge @!p0 [sflag:s0], s1  }
0x44: {  	s1 =	ssub.s32 @!p0 $0x0, s1;
	[sflag:s0] =	ssyncset.done @!p0 $0x0  }
0x45: {  	[sflag:s0] =	ssyncadd.s32 @!p0 s1  }
0x46: {  	[bflag:$0x3] =	sbarrier.arrive $0xFFFF  }
0x47: {  	_ =	shalt  }

</sc_bundles>
